<compile_context>
chip_gen: v7x
topology: tpu7x:2x2x1
jax: 0.10.2.dev20260603
libtpu: 0.0.44.dev20260713+nightly
codegen_flags: <defaults>
</compile_context>

<pallas_src>
import functools

import jax
import jax.numpy as jnp
from jax import lax
from jax.experimental import pallas as pl
from jax.experimental.pallas import tpu as pltpu
from jax.experimental.pallas import tpu_sc as plsc

NC = 2
NS = 16
NW = NC * NS
CHUNK = 128


def _sc_degree(dst_p, npad):
    ch = dst_p.shape[1]
    rows_per_tile = npad // NS
    mesh = plsc.VectorSubcoreMesh(core_axis_name="c", subcore_axis_name="s")

    @functools.partial(
        pl.kernel,
        mesh=mesh,
        out_type=jax.ShapeDtypeStruct((2 * npad, 128), jnp.float32),
        scratch_types=[
            pltpu.VMEM((ch, CHUNK), jnp.int32),
            pltpu.VMEM((CHUNK, 128), jnp.float32),
            pltpu.VMEM_SHARED((npad, 128), jnp.float32),
        ],
    )
    def k(dst_hbm, out_hbm, idx_v, stage_v, acc_s):
        cid = lax.axis_index("c")
        sid = lax.axis_index("s")
        wid = sid * NC + cid
        pltpu.sync_copy(dst_hbm.at[wid], idx_v)

        @pl.loop(0, CHUNK)
        def _(i):
            @pl.loop(0, 8)
            def _(k2):
                stage_v[i, pl.ds(k2 * 16, 16)] = jnp.zeros((16,), jnp.float32)

        rbase = sid * rows_per_tile

        @pl.loop(0, rows_per_tile // CHUNK)
        def _(t):
            pltpu.sync_copy(stage_v, acc_s.at[pl.ds(rbase + t * CHUNK, CHUNK)])

        plsc.subcore_barrier()

        @pl.loop(0, CHUNK)
        def _(i):
            stage_v[i, pl.ds(0, 16)] = jnp.ones((16,), jnp.float32)

        @pl.loop(0, ch)
        def _(j):
            pltpu.sync_copy(stage_v, acc_s.at[idx_v.at[j]], add=True)

        plsc.subcore_barrier()
        pltpu.sync_copy(
            acc_s.at[pl.ds(rbase, rows_per_tile)],
            out_hbm.at[pl.ds(cid * npad + rbase, rows_per_tile)],
        )

    return k(dst_p)


def _sc_segment_sum(ga, gb, src_p, dst_p, npad, d):
    ch = src_p.shape[1]
    rows_per_tile = npad // NS
    mesh = plsc.VectorSubcoreMesh(core_axis_name="c", subcore_axis_name="s")

    @functools.partial(
        pl.kernel,
        mesh=mesh,
        out_type=jax.ShapeDtypeStruct((2 * npad, d), jnp.float32),
        scratch_types=[
            pltpu.VMEM((ch, CHUNK), jnp.int32),
            pltpu.VMEM((ch, CHUNK), jnp.int32),
            pltpu.VMEM((CHUNK, d), jnp.float32),
            pltpu.VMEM_SHARED((npad, d), jnp.float32),
            pltpu.SemaphoreType.DMA,
        ],
    )
    def k(ga_hbm, gb_hbm, src_hbm, dst_hbm, out_hbm, src_v, dst_v, rows_v,
          acc_s, sem):
        cid = lax.axis_index("c")
        sid = lax.axis_index("s")
        wid = sid * NC + cid
        pltpu.sync_copy(src_hbm.at[wid], src_v)
        pltpu.sync_copy(dst_hbm.at[wid], dst_v)

        @pl.loop(0, CHUNK)
        def _(i):
            @pl.loop(0, d // 16)
            def _(k2):
                rows_v[i, pl.ds(k2 * 16, 16)] = jnp.zeros((16,), jnp.float32)

        rbase = sid * rows_per_tile

        @pl.loop(0, rows_per_tile // CHUNK)
        def _(t):
            pltpu.sync_copy(rows_v, acc_s.at[pl.ds(rbase + t * CHUNK, CHUNK)])

        plsc.subcore_barrier()

        @pl.when(cid == 0)
        def _():
            @pl.loop(0, ch)
            def _(j):
                pltpu.async_copy(ga_hbm.at[src_v.at[j]], rows_v, sem).wait()
                pltpu.sync_copy(rows_v, acc_s.at[dst_v.at[j]], add=True)

        @pl.when(cid == 1)
        def _():
            @pl.loop(0, ch)
            def _(j):
                pltpu.async_copy(gb_hbm.at[src_v.at[j]], rows_v, sem).wait()
                pltpu.sync_copy(rows_v, acc_s.at[dst_v.at[j]], add=True)

        plsc.subcore_barrier()
        pltpu.sync_copy(
            acc_s.at[pl.ds(rbase, rows_per_tile)],
            out_hbm.at[pl.ds(cid * npad + rbase, rows_per_tile)],
        )

    return k(ga, gb, src_p, dst_p)


def _dinv(d0_r, d1_r):
    return lax.rsqrt(d0_r[:, 0:1] + d1_r[:, 0:1] + 1.0)


def _tc_layer1(x, w1, d0, d1, blk):
    n, din = x.shape
    dh = w1.shape[1]

    def body(x_r, w_r, d0_r, d1_r, o_r, o2_r):
        v = (
            jnp.dot(x_r[...], w_r[...], preferred_element_type=jnp.float32)
            * _dinv(d0_r, d1_r)
        )
        o_r[...] = v
        o2_r[...] = v

    return pl.pallas_call(
        body,
        grid=(n // blk,),
        in_specs=[
            pl.BlockSpec((blk, din), lambda i: (i, 0)),
            pl.BlockSpec((din, dh), lambda i: (0, 0)),
            pl.BlockSpec((blk, 128), lambda i: (i, 0)),
            pl.BlockSpec((blk, 128), lambda i: (i, 0)),
        ],
        out_specs=[pl.BlockSpec((blk, dh), lambda i: (i, 0)),
                   pl.BlockSpec((blk, dh), lambda i: (i, 0))],
        out_shape=[jax.ShapeDtypeStruct((n, dh), jnp.float32),
                   jax.ShapeDtypeStruct((n, dh), jnp.float32)],
    )(x, w1, d0, d1)


def _tc_layer2(a0, a1, g1, d0, d1, b1, w2, blk):
    n, dh = g1.shape
    do = w2.shape[1]

    def body(a0_r, a1_r, g_r, d0_r, d1_r, b_r, w_r, o_r, o2_r):
        dinv = _dinv(d0_r, d1_r)
        h = (a0_r[...] + a1_r[...] + g_r[...]) * dinv + b_r[...]
        h = jnp.maximum(h, 0.0)
        v = jnp.dot(h, w_r[...], preferred_element_type=jnp.float32) * dinv
        o_r[...] = v
        o2_r[...] = v

    return pl.pallas_call(
        body,
        grid=(n // blk,),
        in_specs=[
            pl.BlockSpec((blk, dh), lambda i: (i, 0)),
            pl.BlockSpec((blk, dh), lambda i: (i, 0)),
            pl.BlockSpec((blk, dh), lambda i: (i, 0)),
            pl.BlockSpec((blk, 128), lambda i: (i, 0)),
            pl.BlockSpec((blk, 128), lambda i: (i, 0)),
            pl.BlockSpec((1, dh), lambda i: (0, 0)),
            pl.BlockSpec((dh, do), lambda i: (0, 0)),
        ],
        out_specs=[pl.BlockSpec((blk, do), lambda i: (i, 0)),
                   pl.BlockSpec((blk, do), lambda i: (i, 0))],
        out_shape=[jax.ShapeDtypeStruct((n, do), jnp.float32),
                   jax.ShapeDtypeStruct((n, do), jnp.float32)],
    )(a0, a1, g1, d0, d1, b1, w2)


def _tc_final(a0, a1, g2, d0, d1, b2, blk):
    n, dp = g2.shape
    do = b2.shape[1]

    def body(a0_r, a1_r, g_r, d0_r, d1_r, b_r, o_r):
        s = (pl.ds(0, blk), pl.ds(0, do))
        m = (a0_r[s] + a1_r[s] + g_r[s]) * _dinv(d0_r, d1_r) + b_r[...]
        mx = jnp.max(m, axis=1, keepdims=True)
        e = jnp.exp(m - mx)
        lse = jnp.log(jnp.sum(e, axis=1, keepdims=True)) + mx
        o_r[...] = m - lse

    return pl.pallas_call(
        body,
        grid=(n // blk,),
        in_specs=[
            pl.BlockSpec((blk, dp), lambda i: (i, 0)),
            pl.BlockSpec((blk, dp), lambda i: (i, 0)),
            pl.BlockSpec((blk, dp), lambda i: (i, 0)),
            pl.BlockSpec((blk, 128), lambda i: (i, 0)),
            pl.BlockSpec((blk, 128), lambda i: (i, 0)),
            pl.BlockSpec((1, do), lambda i: (0, 0)),
        ],
        out_specs=pl.BlockSpec((blk, do), lambda i: (i, 0)),
        out_shape=jax.ShapeDtypeStruct((n, do), jnp.float32),
    )(a0, a1, g2, d0, d1, b2)


def kernel(x, edge_index, W1, b1, W2, b2):
    n = x.shape[0]
    e = edge_index.shape[1]
    npad = -(-n // (NS * CHUNK)) * NS * CHUNK
    blk = 1000 if n % 1000 == 0 else 8

    src = edge_index[0].astype(jnp.int32)
    dst = edge_index[1].astype(jnp.int32)
    ch = -(-e // (NW * CHUNK))
    epad = NW * ch * CHUNK
    src_p = jnp.concatenate(
        [src, jnp.zeros((epad - e,), jnp.int32)]).reshape(NW, ch, CHUNK)
    dst_p = jnp.concatenate(
        [dst, jnp.full((epad - e,), n, jnp.int32)]).reshape(NW, ch, CHUNK)

    degs = _sc_degree(dst_p, npad)
    d0, d1 = degs[:n], degs[npad:npad + n]

    g1, g1b = _tc_layer1(x, W1, d0, d1, blk)
    acc1 = _sc_segment_sum(g1, g1b, src_p, dst_p, npad, g1.shape[1])
    a0, a1 = acc1[:n], acc1[npad:npad + n]

    do = W2.shape[1]
    w2p = jnp.concatenate(
        [W2, jnp.zeros((W2.shape[0], 128 - do), jnp.float32)], axis=1)
    g2, g2b = _tc_layer2(a0, a1, g1, d0, d1, b1.reshape(1, -1), w2p, blk)
    acc2 = _sc_segment_sum(g2, g2b, src_p, dst_p, npad, g2.shape[1])
    c0, c1 = acc2[:n], acc2[npad:npad + n]

    return _tc_final(c0, c1, g2, d0, d1, b2.reshape(1, -1), blk)

# --- scband reference (transcript-rebuilt; emitter-appended) ---
"""Pipeline reference for scband-gcnmodel-73478300500078 (READ-ONLY COPY).

The authoritative reference and input builder live on the scoring server;
editing this copy changes nothing except your own understanding.
"""

import jax, jax.numpy as jnp
import numpy as np

N_NODES = 10000
N_EDGES = 320000
D_IN = 128
D_HID = 128
D_OUT = 64


def _gcn_conv(x, edge_index, W, b):
    num_nodes = x.shape[0]
    loops = jnp.arange(num_nodes, dtype=edge_index.dtype)
    src = jnp.concatenate([edge_index[0], loops])
    dst = jnp.concatenate([edge_index[1], loops])
    deg = jnp.zeros((num_nodes,), x.dtype).at[dst].add(1.0)
    dinv = jnp.where(deg > 0, jax.lax.rsqrt(jnp.maximum(deg, 1e-12)), 0.0)
    norm = dinv[src] * dinv[dst]
    h = x @ W
    msgs = h[src] * norm[:, None]
    out = jnp.zeros((num_nodes, W.shape[1]), x.dtype).at[dst].add(msgs)
    return out + b


def setup_inputs(seed: int = 0) -> dict:
    key = jax.random.key(seed)
    k1, k2, k3, k4 = jax.random.split(key, 4)
    x = jax.random.normal(k1, (N_NODES, D_IN), dtype=jnp.float32)
    edge_index = jax.random.randint(k2, (2, N_EDGES), 0, N_NODES, dtype=jnp.int64)
    s1 = float(np.sqrt(6.0 / (D_IN + D_HID)))
    s2 = float(np.sqrt(6.0 / (D_HID + D_OUT)))
    W1 = jax.random.uniform(k3, (D_IN, D_HID), dtype=jnp.float32, minval=-s1, maxval=s1)
    b1 = jnp.zeros((D_HID,), dtype=jnp.float32)
    W2 = jax.random.uniform(k4, (D_HID, D_OUT), dtype=jnp.float32, minval=-s2, maxval=s2)
    b2 = jnp.zeros((D_OUT,), dtype=jnp.float32)
    return {"x": x, "edge_index": edge_index, "W1": W1, "b1": b1, "W2": W2, "b2": b2}


def reference(x, edge_index, W1, b1, W2, b2):
    # GCNModel.forward (eval mode: dropout is identity)
    h = _gcn_conv(x, edge_index, W1, b1)
    h = jax.nn.relu(h)
    h = _gcn_conv(h, edge_index, W2, b2)
    return jax.nn.log_softmax(h, axis=1)

if __name__ == "__main__":
    import jax
    _d = setup_inputs()
    print(jax.jit(kernel)(*tuple(_d.values())))

</pallas_src>

<mosaic_0001>
#map = affine_map<(d0, d1) -> (0, 0)>
#map1 = affine_map<(d0, d1) -> (0, 0, 0)>
module attributes {stable_mosaic.version = 14 : i64} {
  func.func @k(%arg0: i32, %arg1: i32, %arg2: memref<10000x128xf32, #tpu.memory_space<hbm>>, %arg3: memref<10000x128xf32, #tpu.memory_space<hbm>>, %arg4: memref<32x79x128xi32, #tpu.memory_space<hbm>>, %arg5: memref<32x79x128xi32, #tpu.memory_space<hbm>>, %arg6: memref<20480x128xf32, #tpu.memory_space<hbm>>, %arg7: memref<79x128xi32, #tpu.memory_space<vmem>>, %arg8: memref<79x128xi32, #tpu.memory_space<vmem>>, %arg9: memref<128x128xf32, #tpu.memory_space<vmem>>, %arg10: memref<10240x128xf32, #tpu.memory_space<vmem_shared>>, %arg11: memref<!tpu.dma_semaphore, #tpu.memory_space<semaphore_mem>>) attributes {dimension_semantics = [#tpu.dimension_semantics<core_parallel>, #tpu.dimension_semantics<subcore_parallel>], iteration_bounds = array<i64: 2, 16>, scalar_prefetch = 0 : i64, scratch_operands = 5 : i64, tpu.core_type = #tpu.core_type<sc_vector_subcore>, window_params = [{transform_indices = #map}, {transform_indices = #map}, {transform_indices = #map1}, {transform_indices = #map1}, {transform_indices = #map}]} {
    %mul3A = arith.constant 2 : i32
    %mul3A_0 = arith.muli %arg1, %mul3A : i32
    %add3A = arith.addi %mul3A_0, %arg0 : i32
    "tpu.region"() ({
      %run_scoped3A = tpu.sem_alloc : memref<!tpu.dma_semaphore, #tpu.memory_space<semaphore_mem>>
      %dma_start3A = arith.constant 0 : i32
      %dma_start3A_23 = arith.constant 0 : i32
      %dma_start3A_24 = tpu.memref_slice %arg4[%add3A, %dma_start3A, %dma_start3A_23] : memref<32x79x128xi32, #tpu.memory_space<hbm>> -> memref<1x79x128xi32, #tpu.memory_space<hbm>>
      %dma_start3A_25 = tpu.memref_squeeze %dma_start3A_24 : memref<1x79x128xi32, #tpu.memory_space<hbm>> -> memref<79x128xi32, #tpu.memory_space<hbm>>
      %dma_start3A_26 = arith.constant 0 : i32
      %dma_start3A_27 = arith.constant 0 : i32
      %dma_start3A_28 = tpu.memref_slice %arg4[%add3A, %dma_start3A_26, %dma_start3A_27] : memref<32x79x128xi32, #tpu.memory_space<hbm>> -> memref<1x79x128xi32, #tpu.memory_space<hbm>>
      %dma_start3A_29 = tpu.memref_squeeze %dma_start3A_28 : memref<1x79x128xi32, #tpu.memory_space<hbm>> -> memref<79x128xi32, #tpu.memory_space<hbm>>
      tpu.enqueue_dma source(%dma_start3A_29 : memref<79x128xi32, #tpu.memory_space<hbm>>) target(%arg7 : memref<79x128xi32, #tpu.memory_space<vmem>>) target_semaphore(%run_scoped3A : memref<!tpu.dma_semaphore, #tpu.memory_space<semaphore_mem>>)
      %dma_wait3A = arith.constant 0 : i32
      %dma_wait3A_30 = arith.constant 0 : i32
      %dma_wait3A_31 = tpu.memref_slice %arg4[%add3A, %dma_wait3A, %dma_wait3A_30] : memref<32x79x128xi32, #tpu.memory_space<hbm>> -> memref<1x79x128xi32, #tpu.memory_space<hbm>>
      %dma_wait3A_32 = tpu.memref_squeeze %dma_wait3A_31 : memref<1x79x128xi32, #tpu.memory_space<hbm>> -> memref<79x128xi32, #tpu.memory_space<hbm>>
      %dma_wait3A_33 = arith.constant 0 : i32
      %dma_wait3A_34 = arith.constant 0 : i32
      %dma_wait3A_35 = tpu.memref_slice %arg4[%add3A, %dma_wait3A_33, %dma_wait3A_34] : memref<32x79x128xi32, #tpu.memory_space<hbm>> -> memref<1x79x128xi32, #tpu.memory_space<hbm>>
      %dma_wait3A_36 = tpu.memref_squeeze %dma_wait3A_35 : memref<1x79x128xi32, #tpu.memory_space<hbm>> -> memref<79x128xi32, #tpu.memory_space<hbm>>
      tpu.wait_dma2 semaphore(%run_scoped3A : memref<!tpu.dma_semaphore, #tpu.memory_space<semaphore_mem>>) src(%dma_wait3A_36 : memref<79x128xi32, #tpu.memory_space<hbm>>) dst(%arg7 : memref<79x128xi32, #tpu.memory_space<vmem>>)
      tpu.yield
    }) : () -> ()
    "tpu.region"() ({
      %run_scoped3A = tpu.sem_alloc : memref<!tpu.dma_semaphore, #tpu.memory_space<semaphore_mem>>
      %dma_start3A = arith.constant 0 : i32
      %dma_start3A_23 = arith.constant 0 : i32
      %dma_start3A_24 = tpu.memref_slice %arg5[%add3A, %dma_start3A, %dma_start3A_23] : memref<32x79x128xi32, #tpu.memory_space<hbm>> -> memref<1x79x128xi32, #tpu.memory_space<hbm>>
      %dma_start3A_25 = tpu.memref_squeeze %dma_start3A_24 : memref<1x79x128xi32, #tpu.memory_space<hbm>> -> memref<79x128xi32, #tpu.memory_space<hbm>>
      %dma_start3A_26 = arith.constant 0 : i32
      %dma_start3A_27 = arith.constant 0 : i32
      %dma_start3A_28 = tpu.memref_slice %arg5[%add3A, %dma_start3A_26, %dma_start3A_27] : memref<32x79x128xi32, #tpu.memory_space<hbm>> -> memref<1x79x128xi32, #tpu.memory_space<hbm>>
      %dma_start3A_29 = tpu.memref_squeeze %dma_start3A_28 : memref<1x79x128xi32, #tpu.memory_space<hbm>> -> memref<79x128xi32, #tpu.memory_space<hbm>>
      tpu.enqueue_dma source(%dma_start3A_29 : memref<79x128xi32, #tpu.memory_space<hbm>>) target(%arg8 : memref<79x128xi32, #tpu.memory_space<vmem>>) target_semaphore(%run_scoped3A : memref<!tpu.dma_semaphore, #tpu.memory_space<semaphore_mem>>)
      %dma_wait3A = arith.constant 0 : i32
      %dma_wait3A_30 = arith.constant 0 : i32
      %dma_wait3A_31 = tpu.memref_slice %arg5[%add3A, %dma_wait3A, %dma_wait3A_30] : memref<32x79x128xi32, #tpu.memory_space<hbm>> -> memref<1x79x128xi32, #tpu.memory_space<hbm>>
      %dma_wait3A_32 = tpu.memref_squeeze %dma_wait3A_31 : memref<1x79x128xi32, #tpu.memory_space<hbm>> -> memref<79x128xi32, #tpu.memory_space<hbm>>
      %dma_wait3A_33 = arith.constant 0 : i32
      %dma_wait3A_34 = arith.constant 0 : i32
      %dma_wait3A_35 = tpu.memref_slice %arg5[%add3A, %dma_wait3A_33, %dma_wait3A_34] : memref<32x79x128xi32, #tpu.memory_space<hbm>> -> memref<1x79x128xi32, #tpu.memory_space<hbm>>
      %dma_wait3A_36 = tpu.memref_squeeze %dma_wait3A_35 : memref<1x79x128xi32, #tpu.memory_space<hbm>> -> memref<79x128xi32, #tpu.memory_space<hbm>>
      tpu.wait_dma2 semaphore(%run_scoped3A : memref<!tpu.dma_semaphore, #tpu.memory_space<semaphore_mem>>) src(%dma_wait3A_36 : memref<79x128xi32, #tpu.memory_space<hbm>>) dst(%arg8 : memref<79x128xi32, #tpu.memory_space<vmem>>)
      tpu.yield
    }) : () -> ()
    %scan3A = arith.constant 0 : i32
    %scan3A_1 = arith.constant 128 : i32
    %scan3A_2 = arith.addi %scan3A, %scan3A_1 : i32
    %scan3A_3 = arith.constant 1 : i32
    scf.for %scan3A_23 = %scan3A to %scan3A_2 step %scan3A_3  : i32 {
      %mul3A_24 = arith.constant 1 : i32
      %mul3A_25 = arith.muli %scan3A_23, %mul3A_24 : i32
      %add3A_26 = arith.constant 0 : i32
      %add3A_27 = arith.addi %add3A_26, %mul3A_25 : i32
      %scan3A_28 = arith.constant 0 : i32
      %scan3A_29 = arith.constant 8 : i32
      %scan3A_30 = arith.addi %scan3A_28, %scan3A_29 : i32
      %scan3A_31 = arith.constant 1 : i32
      scf.for %scan3A_33 = %scan3A_28 to %scan3A_30 step %scan3A_31  : i32 {
        %mul3A_34 = arith.constant 1 : i32
        %mul3A_35 = arith.muli %scan3A_33, %mul3A_34 : i32
        %add3A_36 = arith.constant 0 : i32
        %add3A_37 = arith.addi %add3A_36, %mul3A_35 : i32
        %broadcast_in_dim3A = arith.constant 0.000000e+00 : f32
        %broadcast_in_dim3A_38 = vector.broadcast %broadcast_in_dim3A : f32 to vector<16xf32>
        %mul3A_39 = arith.constant 16 : i32
        %mul3A_40 = arith.muli %add3A_37, %mul3A_39 : i32
        %swap3A = arith.index_cast %add3A_27 : i32 to index
        %swap3A_41 = arith.index_cast %mul3A_40 : i32 to index
        %swap3A_42 = tpu.vector_load %arg9[%swap3A, %swap3A_41] {strides = array<i32>} : memref<128x128xf32, #tpu.memory_space<vmem>>, vector<1x16xf32>,
        %swap3A_43 = vector.shape_cast %swap3A_42 : vector<1x16xf32> to vector<16xf32>
        %swap3A_44 = vector.shape_cast %broadcast_in_dim3A_38 : vector<16xf32> to vector<1x16xf32>
        tpu.vector_store %arg9[%swap3A, %swap3A_41], %swap3A_44 {strides = array<i32>} : memref<128x128xf32, #tpu.memory_space<vmem>>, vector<1x16xf32>,
      }
      %scan3A_32 = arith.constant 8 : i32
    }
    %scan3A_4 = arith.constant 128 : i32
    %mul3A_5 = arith.constant 640 : i32
    %mul3A_6 = arith.muli %arg1, %mul3A_5 : i32
    %scan3A_7 = arith.constant 0 : i32
    %scan3A_8 = arith.constant 5 : i32
    %scan3A_9 = arith.addi %scan3A_7, %scan3A_8 : i32
    %scan3A_10 = arith.constant 1 : i32
    scf.for %scan3A_23 = %scan3A_7 to %scan3A_9 step %scan3A_10  : i32 {
      %mul3A_24 = arith.constant 1 : i32
      %mul3A_25 = arith.muli %scan3A_23, %mul3A_24 : i32
      %add3A_26 = arith.constant 0 : i32
      %add3A_27 = arith.addi %add3A_26, %mul3A_25 : i32
      %mul3A_28 = arith.constant 128 : i32
      %mul3A_29 = arith.muli %add3A_27, %mul3A_28 : i32
      %add3A_30 = arith.addi %mul3A_6, %mul3A_29 : i32
      "tpu.region"() ({
        %run_scoped3A = tpu.sem_alloc : memref<!tpu.dma_semaphore, #tpu.memory_space<semaphore_mem>>
        %dma_start3A = arith.constant 0 : i32
        %dma_start3A_31 = tpu.memref_slice %arg10[%add3A_30, %dma_start3A] : memref<10240x128xf32, #tpu.memory_space<vmem_shared>> -> memref<128x128xf32, #tpu.memory_space<vmem_shared>>
        %dma_start3A_32 = arith.constant 0 : i32
        %dma_start3A_33 = tpu.memref_slice %arg10[%add3A_30, %dma_start3A_32] : memref<10240x128xf32, #tpu.memory_space<vmem_shared>> -> memref<128x128xf32, #tpu.memory_space<vmem_shared>>
        tpu.enqueue_dma source(%arg9 : memref<128x128xf32, #tpu.memory_space<vmem>>) target(%dma_start3A_33 : memref<128x128xf32, #tpu.memory_space<vmem_shared>>) target_semaphore(%run_scoped3A : memref<!tpu.dma_semaphore, #tpu.memory_space<semaphore_mem>>)
        %dma_wait3A = arith.constant 0 : i32
        %dma_wait3A_34 = tpu.memref_slice %arg10[%add3A_30, %dma_wait3A] : memref<10240x128xf32, #tpu.memory_space<vmem_shared>> -> memref<128x128xf32, #tpu.memory_space<vmem_shared>>
        %dma_wait3A_35 = arith.constant 0 : i32
        %dma_wait3A_36 = tpu.memref_slice %arg10[%add3A_30, %dma_wait3A_35] : memref<10240x128xf32, #tpu.memory_space<vmem_shared>> -> memref<128x128xf32, #tpu.memory_space<vmem_shared>>
        tpu.wait_dma2 semaphore(%run_scoped3A : memref<!tpu.dma_semaphore, #tpu.memory_space<semaphore_mem>>) src(%arg9 : memref<128x128xf32, #tpu.memory_space<vmem>>) dst(%dma_wait3A_36 : memref<128x128xf32, #tpu.memory_space<vmem_shared>>)
        tpu.yield
      }) : () -> ()
    }
    %scan3A_11 = arith.constant 5 : i32
    %barrier3A = arith.constant 0 : index
    tpu.barrier barrier_id(%barrier3A)
    %eq3A = arith.constant 0 : i32
    %eq3A_12 = arith.cmpi eq, %arg0, %eq3A : i32
    %convert_element_type3A = arith.extui %eq3A_12 : i1 to i32
    %cond3A = arith.constant 0 : i32
    %cond3A_13 = arith.cmpi ne, %convert_element_type3A, %cond3A : i32
    scf.if %cond3A_13 {
      %scan3A_23 = arith.constant 0 : i32
      %scan3A_24 = arith.constant 79 : i32
      %scan3A_25 = arith.addi %scan3A_23, %scan3A_24 : i32
      %scan3A_26 = arith.constant 1 : i32
      scf.for %scan3A_28 = %scan3A_23 to %scan3A_25 step %scan3A_26  : i32 {
        %mul3A_29 = arith.constant 1 : i32
        %mul3A_30 = arith.muli %scan3A_28, %mul3A_29 : i32
        %add3A_31 = arith.constant 0 : i32
        %add3A_32 = arith.addi %add3A_31, %mul3A_30 : i32
        %dma_start3A = arith.constant 0 : i32
        %dma_start3A_33 = tpu.memref_slice %arg7[%add3A_32, %dma_start3A] : memref<79x128xi32, #tpu.memory_space<vmem>> -> memref<1x128xi32, #tpu.memory_space<vmem>>
        %dma_start3A_34 = tpu.memref_squeeze %dma_start3A_33 : memref<1x128xi32, #tpu.memory_space<vmem>> -> memref<128xi32, #tpu.memory_space<vmem>>
        %dma_start3A_35 = arith.constant 0 : i32
        %dma_start3A_36 = arith.constant 0 : i32
        %dma_start3A_37 = tpu.memref_slice %arg2[%dma_start3A_35, %dma_start3A_36] : memref<10000x128xf32, #tpu.memory_space<hbm>> -> memref<10000x128xf32, #tpu.memory_space<hbm>>
        tpu.enqueue_indirect_dma source(%dma_start3A_37 : memref<10000x128xf32, #tpu.memory_space<hbm>>) target(%arg9 : memref<128x128xf32, #tpu.memory_space<vmem>>) offsets(%dma_start3A_34 : memref<128xi32, #tpu.memory_space<vmem>>) semaphore(%arg11 : memref<!tpu.dma_semaphore, #tpu.memory_space<semaphore_mem>>)
        %dma_wait3A = arith.constant 0 : i32
        %dma_wait3A_38 = tpu.memref_slice %arg7[%add3A_32, %dma_wait3A] : memref<79x128xi32, #tpu.memory_space<vmem>> -> memref<1x128xi32, #tpu.memory_space<vmem>>
        %dma_wait3A_39 = tpu.memref_squeeze %dma_wait3A_38 : memref<1x128xi32, #tpu.memory_space<vmem>> -> memref<128xi32, #tpu.memory_space<vmem>>
        %dma_wait3A_40 = arith.constant 0 : i32
        %dma_wait3A_41 = arith.constant 0 : i32
        %dma_wait3A_42 = tpu.memref_slice %arg2[%dma_wait3A_40, %dma_wait3A_41] : memref<10000x128xf32, #tpu.memory_space<hbm>> -> memref<10000x128xf32, #tpu.memory_space<hbm>>
        tpu.wait_indirect_dma semaphore(%arg11 : memref<!tpu.dma_semaphore, #tpu.memory_space<semaphore_mem>>) src(%dma_wait3A_42 : memref<10000x128xf32, #tpu.memory_space<hbm>>) dst(%arg9 : memref<128x128xf32, #tpu.memory_space<vmem>>)
        "tpu.region"() ({
          %run_scoped3A = tpu.sem_alloc : memref<!tpu.dma_semaphore, #tpu.memory_space<semaphore_mem>>
          %dma_start3A_43 = arith.constant 0 : i32
          %dma_start3A_44 = tpu.memref_slice %arg8[%add3A_32, %dma_start3A_43] : memref<79x128xi32, #tpu.memory_space<vmem>> -> memref<1x128xi32, #tpu.memory_space<vmem>>
          %dma_start3A_45 = tpu.memref_squeeze %dma_start3A_44 : memref<1x128xi32, #tpu.memory_space<vmem>> -> memref<128xi32, #tpu.memory_space<vmem>>
          %dma_start3A_46 = arith.constant 0 : i32
          %dma_start3A_47 = arith.constant 0 : i32
          %dma_start3A_48 = tpu.memref_slice %arg10[%dma_start3A_46, %dma_start3A_47] : memref<10240x128xf32, #tpu.memory_space<vmem_shared>> -> memref<10240x128xf32, #tpu.memory_space<vmem_shared>>
          tpu.enqueue_indirect_dma source(%arg9 : memref<128x128xf32, #tpu.memory_space<vmem>>) target(%dma_start3A_48 : memref<10240x128xf32, #tpu.memory_space<vmem_shared>>) offsets(%dma_start3A_45 : memref<128xi32, #tpu.memory_space<vmem>>) semaphore(%run_scoped3A : memref<!tpu.dma_semaphore, #tpu.memory_space<semaphore_mem>>) {add = true}
          %dma_wait3A_49 = arith.constant 0 : i32
          %dma_wait3A_50 = tpu.memref_slice %arg8[%add3A_32, %dma_wait3A_49] : memref<79x128xi32, #tpu.memory_space<vmem>> -> memref<1x128xi32, #tpu.memory_space<vmem>>
          %dma_wait3A_51 = tpu.memref_squeeze %dma_wait3A_50 : memref<1x128xi32, #tpu.memory_space<vmem>> -> memref<128xi32, #tpu.memory_space<vmem>>
          %dma_wait3A_52 = arith.constant 0 : i32
          %dma_wait3A_53 = arith.constant 0 : i32
          %dma_wait3A_54 = tpu.memref_slice %arg10[%dma_wait3A_52, %dma_wait3A_53] : memref<10240x128xf32, #tpu.memory_space<vmem_shared>> -> memref<10240x128xf32, #tpu.memory_space<vmem_shared>>
          tpu.wait_indirect_dma semaphore(%run_scoped3A : memref<!tpu.dma_semaphore, #tpu.memory_space<semaphore_mem>>) src(%arg9 : memref<128x128xf32, #tpu.memory_space<vmem>>) dst(%dma_wait3A_54 : memref<10240x128xf32, #tpu.memory_space<vmem_shared>>)
          tpu.yield
        }) : () -> ()
      }
      %scan3A_27 = arith.constant 79 : i32
    } else {
    }
    %eq3A_14 = arith.constant 1 : i32
    %eq3A_15 = arith.cmpi eq, %arg0, %eq3A_14 : i32
    %convert_element_type3A_16 = arith.extui %eq3A_15 : i1 to i32
    %cond3A_17 = arith.constant 0 : i32
    %cond3A_18 = arith.cmpi ne, %convert_element_type3A_16, %cond3A_17 : i32
    scf.if %cond3A_18 {
      %scan3A_23 = arith.constant 0 : i32
      %scan3A_24 = arith.constant 79 : i32
      %scan3A_25 = arith.addi %scan3A_23, %scan3A_24 : i32
      %scan3A_26 = arith.constant 1 : i32
      scf.for %scan3A_28 = %scan3A_23 to %scan3A_25 step %scan3A_26  : i32 {
        %mul3A_29 = arith.constant 1 : i32
        %mul3A_30 = arith.muli %scan3A_28, %mul3A_29 : i32
        %add3A_31 = arith.constant 0 : i32
        %add3A_32 = arith.addi %add3A_31, %mul3A_30 : i32
        %dma_start3A = arith.constant 0 : i32
        %dma_start3A_33 = tpu.memref_slice %arg7[%add3A_32, %dma_start3A] : memref<79x128xi32, #tpu.memory_space<vmem>> -> memref<1x128xi32, #tpu.memory_space<vmem>>
        %dma_start3A_34 = tpu.memref_squeeze %dma_start3A_33 : memref<1x128xi32, #tpu.memory_space<vmem>> -> memref<128xi32, #tpu.memory_space<vmem>>
        %dma_start3A_35 = arith.constant 0 : i32
        %dma_start3A_36 = arith.constant 0 : i32
        %dma_start3A_37 = tpu.memref_slice %arg3[%dma_start3A_35, %dma_start3A_36] : memref<10000x128xf32, #tpu.memory_space<hbm>> -> memref<10000x128xf32, #tpu.memory_space<hbm>>
        tpu.enqueue_indirect_dma source(%dma_start3A_37 : memref<10000x128xf32, #tpu.memory_space<hbm>>) target(%arg9 : memref<128x128xf32, #tpu.memory_space<vmem>>) offsets(%dma_start3A_34 : memref<128xi32, #tpu.memory_space<vmem>>) semaphore(%arg11 : memref<!tpu.dma_semaphore, #tpu.memory_space<semaphore_mem>>)
        %dma_wait3A = arith.constant 0 : i32
        %dma_wait3A_38 = tpu.memref_slice %arg7[%add3A_32, %dma_wait3A] : memref<79x128xi32, #tpu.memory_space<vmem>> -> memref<1x128xi32, #tpu.memory_space<vmem>>
        %dma_wait3A_39 = tpu.memref_squeeze %dma_wait3A_38 : memref<1x128xi32, #tpu.memory_space<vmem>> -> memref<128xi32, #tpu.memory_space<vmem>>
        %dma_wait3A_40 = arith.constant 0 : i32
        %dma_wait3A_41 = arith.constant 0 : i32
        %dma_wait3A_42 = tpu.memref_slice %arg3[%dma_wait3A_40, %dma_wait3A_41] : memref<10000x128xf32, #tpu.memory_space<hbm>> -> memref<10000x128xf32, #tpu.memory_space<hbm>>
        tpu.wait_indirect_dma semaphore(%arg11 : memref<!tpu.dma_semaphore, #tpu.memory_space<semaphore_mem>>) src(%dma_wait3A_42 : memref<10000x128xf32, #tpu.memory_space<hbm>>) dst(%arg9 : memref<128x128xf32, #tpu.memory_space<vmem>>)
        "tpu.region"() ({
          %run_scoped3A = tpu.sem_alloc : memref<!tpu.dma_semaphore, #tpu.memory_space<semaphore_mem>>
          %dma_start3A_43 = arith.constant 0 : i32
          %dma_start3A_44 = tpu.memref_slice %arg8[%add3A_32, %dma_start3A_43] : memref<79x128xi32, #tpu.memory_space<vmem>> -> memref<1x128xi32, #tpu.memory_space<vmem>>
          %dma_start3A_45 = tpu.memref_squeeze %dma_start3A_44 : memref<1x128xi32, #tpu.memory_space<vmem>> -> memref<128xi32, #tpu.memory_space<vmem>>
          %dma_start3A_46 = arith.constant 0 : i32
          %dma_start3A_47 = arith.constant 0 : i32
          %dma_start3A_48 = tpu.memref_slice %arg10[%dma_start3A_46, %dma_start3A_47] : memref<10240x128xf32, #tpu.memory_space<vmem_shared>> -> memref<10240x128xf32, #tpu.memory_space<vmem_shared>>
          tpu.enqueue_indirect_dma source(%arg9 : memref<128x128xf32, #tpu.memory_space<vmem>>) target(%dma_start3A_48 : memref<10240x128xf32, #tpu.memory_space<vmem_shared>>) offsets(%dma_start3A_45 : memref<128xi32, #tpu.memory_space<vmem>>) semaphore(%run_scoped3A : memref<!tpu.dma_semaphore, #tpu.memory_space<semaphore_mem>>) {add = true}
          %dma_wait3A_49 = arith.constant 0 : i32
          %dma_wait3A_50 = tpu.memref_slice %arg8[%add3A_32, %dma_wait3A_49] : memref<79x128xi32, #tpu.memory_space<vmem>> -> memref<1x128xi32, #tpu.memory_space<vmem>>
          %dma_wait3A_51 = tpu.memref_squeeze %dma_wait3A_50 : memref<1x128xi32, #tpu.memory_space<vmem>> -> memref<128xi32, #tpu.memory_space<vmem>>
          %dma_wait3A_52 = arith.constant 0 : i32
          %dma_wait3A_53 = arith.constant 0 : i32
          %dma_wait3A_54 = tpu.memref_slice %arg10[%dma_wait3A_52, %dma_wait3A_53] : memref<10240x128xf32, #tpu.memory_space<vmem_shared>> -> memref<10240x128xf32, #tpu.memory_space<vmem_shared>>
          tpu.wait_indirect_dma semaphore(%run_scoped3A : memref<!tpu.dma_semaphore, #tpu.memory_space<semaphore_mem>>) src(%arg9 : memref<128x128xf32, #tpu.memory_space<vmem>>) dst(%dma_wait3A_54 : memref<10240x128xf32, #tpu.memory_space<vmem_shared>>)
          tpu.yield
        }) : () -> ()
      }
      %scan3A_27 = arith.constant 79 : i32
    } else {
    }
    %barrier3A_19 = arith.constant 0 : index
    tpu.barrier barrier_id(%barrier3A_19)
    %mul3A_20 = arith.constant 10240 : i32
    %mul3A_21 = arith.muli %arg0, %mul3A_20 : i32
    %add3A_22 = arith.addi %mul3A_21, %mul3A_6 : i32
    "tpu.region"() ({
      %run_scoped3A = tpu.sem_alloc : memref<!tpu.dma_semaphore, #tpu.memory_space<semaphore_mem>>
      %dma_start3A = arith.constant 0 : i32
      %dma_start3A_23 = tpu.memref_slice %arg6[%add3A_22, %dma_start3A] : memref<20480x128xf32, #tpu.memory_space<hbm>> -> memref<640x128xf32, #tpu.memory_space<hbm>>
      %dma_start3A_24 = arith.constant 0 : i32
      %dma_start3A_25 = tpu.memref_slice %arg10[%mul3A_6, %dma_start3A_24] : memref<10240x128xf32, #tpu.memory_space<vmem_shared>> -> memref<640x128xf32, #tpu.memory_space<vmem_shared>>
      tpu.enqueue_dma source(%dma_start3A_25 : memref<640x128xf32, #tpu.memory_space<vmem_shared>>) target(%dma_start3A_23 : memref<640x128xf32, #tpu.memory_space<hbm>>) target_semaphore(%run_scoped3A : memref<!tpu.dma_semaphore, #tpu.memory_space<semaphore_mem>>)
      %dma_wait3A = arith.constant 0 : i32
      %dma_wait3A_26 = tpu.memref_slice %arg6[%add3A_22, %dma_wait3A] : memref<20480x128xf32, #tpu.memory_space<hbm>> -> memref<640x128xf32, #tpu.memory_space<hbm>>
      %dma_wait3A_27 = arith.constant 0 : i32
      %dma_wait3A_28 = tpu.memref_slice %arg10[%mul3A_6, %dma_wait3A_27] : memref<10240x128xf32, #tpu.memory_space<vmem_shared>> -> memref<640x128xf32, #tpu.memory_space<vmem_shared>>
      tpu.wait_dma2 semaphore(%run_scoped3A : memref<!tpu.dma_semaphore, #tpu.memory_space<semaphore_mem>>) src(%dma_wait3A_28 : memref<640x128xf32, #tpu.memory_space<vmem_shared>>) dst(%dma_wait3A_26 : memref<640x128xf32, #tpu.memory_space<hbm>>)
      tpu.yield
    }) : () -> ()
    return
  }
}

#map = affine_map<(d0, d1) -> (0, 0)>
#map1 = affine_map<(d0, d1) -> (0, 0, 0)>
module attributes {stable_mosaic.version = 14 : i64} {
  func.func @k(%arg0: i32, %arg1: i32, %arg2: memref<10000x128xf32, #tpu.memory_space<hbm>>, %arg3: memref<10000x128xf32, #tpu.memory_space<hbm>>, %arg4: memref<32x79x128xi32, #tpu.memory_space<hbm>>, %arg5: memref<32x79x128xi32, #tpu.memory_space<hbm>>, %arg6: memref<20480x128xf32, #tpu.memory_space<hbm>>, %arg7: memref<79x128xi32, #tpu.memory_space<vmem>>, %arg8: memref<79x128xi32, #tpu.memory_space<vmem>>, %arg9: memref<128x128xf32, #tpu.memory_space<vmem>>, %arg10: memref<10240x128xf32, #tpu.memory_space<vmem_shared>>, %arg11: memref<!tpu.dma_semaphore, #tpu.memory_space<semaphore_mem>>) attributes {dimension_semantics = [#tpu.dimension_semantics<core_parallel>, #tpu.dimension_semantics<subcore_parallel>], iteration_bounds = array<i64: 2, 16>, scalar_prefetch = 0 : i64, scratch_operands = 5 : i64, tpu.core_type = #tpu.core_type<sc_vector_subcore>, window_params = [{transform_indices = #map}, {transform_indices = #map}, {transform_indices = #map1}, {transform_indices = #map1}, {transform_indices = #map}]} {
    %mul3A = arith.constant 2 : i32
    %mul3A_0 = arith.muli %arg1, %mul3A : i32
    %add3A = arith.addi %mul3A_0, %arg0 : i32
    "tpu.region"() ({
      %run_scoped3A = tpu.sem_alloc : memref<!tpu.dma_semaphore, #tpu.memory_space<semaphore_mem>>
      %dma_start3A = arith.constant 0 : i32
      %dma_start3A_23 = arith.constant 0 : i32
      %dma_start3A_24 = tpu.memref_slice %arg4[%add3A, %dma_start3A, %dma_start3A_23] : memref<32x79x128xi32, #tpu.memory_space<hbm>> -> memref<1x79x128xi32, #tpu.memory_space<hbm>>
      %dma_start3A_25 = tpu.memref_squeeze %dma_start3A_24 : memref<1x79x128xi32, #tpu.memory_space<hbm>> -> memref<79x128xi32, #tpu.memory_space<hbm>>
      %dma_start3A_26 = arith.constant 0 : i32
      %dma_start3A_27 = arith.constant 0 : i32
      %dma_start3A_28 = tpu.memref_slice %arg4[%add3A, %dma_start3A_26, %dma_start3A_27] : memref<32x79x128xi32, #tpu.memory_space<hbm>> -> memref<1x79x128xi32, #tpu.memory_space<hbm>>
      %dma_start3A_29 = tpu.memref_squeeze %dma_start3A_28 : memref<1x79x128xi32, #tpu.memory_space<hbm>> -> memref<79x128xi32, #tpu.memory_space<hbm>>
      tpu.enqueue_dma source(%dma_start3A_29 : memref<79x128xi32, #tpu.memory_space<hbm>>) target(%arg7 : memref<79x128xi32, #tpu.memory_space<vmem>>) target_semaphore(%run_scoped3A : memref<!tpu.dma_semaphore, #tpu.memory_space<semaphore_mem>>)
      %dma_wait3A = arith.constant 0 : i32
      %dma_wait3A_30 = arith.constant 0 : i32
      %dma_wait3A_31 = tpu.memref_slice %arg4[%add3A, %dma_wait3A, %dma_wait3A_30] : memref<32x79x128xi32, #tpu.memory_space<hbm>> -> memref<1x79x128xi32, #tpu.memory_space<hbm>>
      %dma_wait3A_32 = tpu.memref_squeeze %dma_wait3A_31 : memref<1x79x128xi32, #tpu.memory_space<hbm>> -> memref<79x128xi32, #tpu.memory_space<hbm>>
      %dma_wait3A_33 = arith.constant 0 : i32
      %dma_wait3A_34 = arith.constant 0 : i32
      %dma_wait3A_35 = tpu.memref_slice %arg4[%add3A, %dma_wait3A_33, %dma_wait3A_34] : memref<32x79x128xi32, #tpu.memory_space<hbm>> -> memref<1x79x128xi32, #tpu.memory_space<hbm>>
      %dma_wait3A_36 = tpu.memref_squeeze %dma_wait3A_35 : memref<1x79x128xi32, #tpu.memory_space<hbm>> -> memref<79x128xi32, #tpu.memory_space<hbm>>
      tpu.wait_dma2 semaphore(%run_scoped3A : memref<!tpu.dma_semaphore, #tpu.memory_space<semaphore_mem>>) src(%dma_wait3A_36 : memref<79x128xi32, #tpu.memory_space<hbm>>) dst(%arg7 : memref<79x128xi32, #tpu.memory_space<vmem>>)
      tpu.yield
    }) : () -> ()
    "tpu.region"() ({
      %run_scoped3A = tpu.sem_alloc : memref<!tpu.dma_semaphore, #tpu.memory_space<semaphore_mem>>
      %dma_start3A = arith.constant 0 : i32
      %dma_start3A_23 = arith.constant 0 : i32
      %dma_start3A_24 = tpu.memref_slice %arg5[%add3A, %dma_start3A, %dma_start3A_23] : memref<32x79x128xi32, #tpu.memory_space<hbm>> -> memref<1x79x128xi32, #tpu.memory_space<hbm>>
      %dma_start3A_25 = tpu.memref_squeeze %dma_start3A_24 : memref<1x79x128xi32, #tpu.memory_space<hbm>> -> memref<79x128xi32, #tpu.memory_space<hbm>>
      %dma_start3A_26 = arith.constant 0 : i32
      %dma_start3A_27 = arith.constant 0 : i32
      %dma_start3A_28 = tpu.memref_slice %arg5[%add3A, %dma_start3A_26, %dma_start3A_27] : memref<32x79x128xi32, #tpu.memory_space<hbm>> -> memref<1x79x128xi32, #tpu.memory_space<hbm>>
      %dma_start3A_29 = tpu.memref_squeeze %dma_start3A_28 : memref<1x79x128xi32, #tpu.memory_space<hbm>> -> memref<79x128xi32, #tpu.memory_space<hbm>>
      tpu.enqueue_dma source(%dma_start3A_29 : memref<79x128xi32, #tpu.memory_space<hbm>>) target(%arg8 : memref<79x128xi32, #tpu.memory_space<vmem>>) target_semaphore(%run_scoped3A : memref<!tpu.dma_semaphore, #tpu.memory_space<semaphore_mem>>)
      %dma_wait3A = arith.constant 0 : i32
      %dma_wait3A_30 = arith.constant 0 : i32
      %dma_wait3A_31 = tpu.memref_slice %arg5[%add3A, %dma_wait3A, %dma_wait3A_30] : memref<32x79x128xi32, #tpu.memory_space<hbm>> -> memref<1x79x128xi32, #tpu.memory_space<hbm>>
      %dma_wait3A_32 = tpu.memref_squeeze %dma_wait3A_31 : memref<1x79x128xi32, #tpu.memory_space<hbm>> -> memref<79x128xi32, #tpu.memory_space<hbm>>
      %dma_wait3A_33 = arith.constant 0 : i32
      %dma_wait3A_34 = arith.constant 0 : i32
      %dma_wait3A_35 = tpu.memref_slice %arg5[%add3A, %dma_wait3A_33, %dma_wait3A_34] : memref<32x79x128xi32, #tpu.memory_space<hbm>> -> memref<1x79x128xi32, #tpu.memory_space<hbm>>
      %dma_wait3A_36 = tpu.memref_squeeze %dma_wait3A_35 : memref<1x79x128xi32, #tpu.memory_space<hbm>> -> memref<79x128xi32, #tpu.memory_space<hbm>>
      tpu.wait_dma2 semaphore(%run_scoped3A : memref<!tpu.dma_semaphore, #tpu.memory_space<semaphore_mem>>) src(%dma_wait3A_36 : memref<79x128xi32, #tpu.memory_space<hbm>>) dst(%arg8 : memref<79x128xi32, #tpu.memory_space<vmem>>)
      tpu.yield
    }) : () -> ()
    %scan3A = arith.constant 0 : i32
    %scan3A_1 = arith.constant 128 : i32
    %scan3A_2 = arith.addi %scan3A, %scan3A_1 : i32
    %scan3A_3 = arith.constant 1 : i32
    scf.for %scan3A_23 = %scan3A to %scan3A_2 step %scan3A_3  : i32 {
      %mul3A_24 = arith.constant 1 : i32
      %mul3A_25 = arith.muli %scan3A_23, %mul3A_24 : i32
      %add3A_26 = arith.constant 0 : i32
      %add3A_27 = arith.addi %add3A_26, %mul3A_25 : i32
      %scan3A_28 = arith.constant 0 : i32
      %scan3A_29 = arith.constant 8 : i32
      %scan3A_30 = arith.addi %scan3A_28, %scan3A_29 : i32
      %scan3A_31 = arith.constant 1 : i32
      scf.for %scan3A_33 = %scan3A_28 to %scan3A_30 step %scan3A_31  : i32 {
        %mul3A_34 = arith.constant 1 : i32
        %mul3A_35 = arith.muli %scan3A_33, %mul3A_34 : i32
        %add3A_36 = arith.constant 0 : i32
        %add3A_37 = arith.addi %add3A_36, %mul3A_35 : i32
        %broadcast_in_dim3A = arith.constant 0.000000e+00 : f32
        %broadcast_in_dim3A_38 = vector.broadcast %broadcast_in_dim3A : f32 to vector<16xf32>
        %mul3A_39 = arith.constant 16 : i32
        %mul3A_40 = arith.muli %add3A_37, %mul3A_39 : i32
        %swap3A = arith.index_cast %add3A_27 : i32 to index
        %swap3A_41 = arith.index_cast %mul3A_40 : i32 to index
        %swap3A_42 = tpu.vector_load %arg9[%swap3A, %swap3A_41] {strides = array<i32>} : memref<128x128xf32, #tpu.memory_space<vmem>>, vector<1x16xf32>,
        %swap3A_43 = vector.shape_cast %swap3A_42 : vector<1x16xf32> to vector<16xf32>
        %swap3A_44 = vector.shape_cast %broadcast_in_dim3A_38 : vector<16xf32> to vector<1x16xf32>
        tpu.vector_store %arg9[%swap3A, %swap3A_41], %swap3A_44 {strides = array<i32>} : memref<128x128xf32, #tpu.memory_space<vmem>>, vector<1x16xf32>,
      }
      %scan3A_32 = arith.constant 8 : i32
    }
    %scan3A_4 = arith.constant 128 : i32
    %mul3A_5 = arith.constant 640 : i32
    %mul3A_6 = arith.muli %arg1, %mul3A_5 : i32
    %scan3A_7 = arith.constant 0 : i32
    %scan3A_8 = arith.constant 5 : i32
    %scan3A_9 = arith.addi %scan3A_7, %scan3A_8 : i32
    %scan3A_10 = arith.constant 1 : i32
    scf.for %scan3A_23 = %scan3A_7 to %scan3A_9 step %scan3A_10  : i32 {
      %mul3A_24 = arith.constant 1 : i32
      %mul3A_25 = arith.muli %scan3A_23, %mul3A_24 : i32
      %add3A_26 = arith.constant 0 : i32
      %add3A_27 = arith.addi %add3A_26, %mul3A_25 : i32
      %mul3A_28 = arith.constant 128 : i32
      %mul3A_29 = arith.muli %add3A_27, %mul3A_28 : i32
      %add3A_30 = arith.addi %mul3A_6, %mul3A_29 : i32
      "tpu.region"() ({
        %run_scoped3A = tpu.sem_alloc : memref<!tpu.dma_semaphore, #tpu.memory_space<semaphore_mem>>
        %dma_start3A = arith.constant 0 : i32
        %dma_start3A_31 = tpu.memref_slice %arg10[%add3A_30, %dma_start3A] : memref<10240x128xf32, #tpu.memory_space<vmem_shared>> -> memref<128x128xf32, #tpu.memory_space<vmem_shared>>
        %dma_start3A_32 = arith.constant 0 : i32
        %dma_start3A_33 = tpu.memref_slice %arg10[%add3A_30, %dma_start3A_32] : memref<10240x128xf32, #tpu.memory_space<vmem_shared>> -> memref<128x128xf32, #tpu.memory_space<vmem_shared>>
        tpu.enqueue_dma source(%arg9 : memref<128x128xf32, #tpu.memory_space<vmem>>) target(%dma_start3A_33 : memref<128x128xf32, #tpu.memory_space<vmem_shared>>) target_semaphore(%run_scoped3A : memref<!tpu.dma_semaphore, #tpu.memory_space<semaphore_mem>>)
        %dma_wait3A = arith.constant 0 : i32
        %dma_wait3A_34 = tpu.memref_slice %arg10[%add3A_30, %dma_wait3A] : memref<10240x128xf32, #tpu.memory_space<vmem_shared>> -> memref<128x128xf32, #tpu.memory_space<vmem_shared>>
        %dma_wait3A_35 = arith.constant 0 : i32
        %dma_wait3A_36 = tpu.memref_slice %arg10[%add3A_30, %dma_wait3A_35] : memref<10240x128xf32, #tpu.memory_space<vmem_shared>> -> memref<128x128xf32, #tpu.memory_space<vmem_shared>>
        tpu.wait_dma2 semaphore(%run_scoped3A : memref<!tpu.dma_semaphore, #tpu.memory_space<semaphore_mem>>) src(%arg9 : memref<128x128xf32, #tpu.memory_space<vmem>>) dst(%dma_wait3A_36 : memref<128x128xf32, #tpu.memory_space<vmem_shared>>)
        tpu.yield
      }) : () -> ()
    }
    %scan3A_11 = arith.constant 5 : i32
    %barrier3A = arith.constant 0 : index
    tpu.barrier barrier_id(%barrier3A)
    %eq3A = arith.constant 0 : i32
    %eq3A_12 = arith.cmpi eq, %arg0, %eq3A : i32
    %convert_element_type3A = arith.extui %eq3A_12 : i1 to i32
    %cond3A = arith.constant 0 : i32
    %cond3A_13 = arith.cmpi ne, %convert_element_type3A, %cond3A : i32
    scf.if %cond3A_13 {
      %scan3A_23 = arith.constant 0 : i32
      %scan3A_24 = arith.constant 79 : i32
      %scan3A_25 = arith.addi %scan3A_23, %scan3A_24 : i32
      %scan3A_26 = arith.constant 1 : i32
      scf.for %scan3A_28 = %scan3A_23 to %scan3A_25 step %scan3A_26  : i32 {
        %mul3A_29 = arith.constant 1 : i32
        %mul3A_30 = arith.muli %scan3A_28, %mul3A_29 : i32
        %add3A_31 = arith.constant 0 : i32
        %add3A_32 = arith.addi %add3A_31, %mul3A_30 : i32
        %dma_start3A = arith.constant 0 : i32
        %dma_start3A_33 = tpu.memref_slice %arg7[%add3A_32, %dma_start3A] : memref<79x128xi32, #tpu.memory_space<vmem>> -> memref<1x128xi32, #tpu.memory_space<vmem>>
        %dma_start3A_34 = tpu.memref_squeeze %dma_start3A_33 : memref<1x128xi32, #tpu.memory_space<vmem>> -> memref<128xi32, #tpu.memory_space<vmem>>
        %dma_start3A_35 = arith.constant 0 : i32
        %dma_start3A_36 = arith.constant 0 : i32
        %dma_start3A_37 = tpu.memref_slice %arg2[%dma_start3A_35, %dma_start3A_36] : memref<10000x128xf32, #tpu.memory_space<hbm>> -> memref<10000x128xf32, #tpu.memory_space<hbm>>
        tpu.enqueue_indirect_dma source(%dma_start3A_37 : memref<10000x128xf32, #tpu.memory_space<hbm>>) target(%arg9 : memref<128x128xf32, #tpu.memory_space<vmem>>) offsets(%dma_start3A_34 : memref<128xi32, #tpu.memory_space<vmem>>) semaphore(%arg11 : memref<!tpu.dma_semaphore, #tpu.memory_space<semaphore_mem>>)
        %dma_wait3A = arith.constant 0 : i32
        %dma_wait3A_38 = tpu.memref_slice %arg7[%add3A_32, %dma_wait3A] : memref<79x128xi32, #tpu.memory_space<vmem>> -> memref<1x128xi32, #tpu.memory_space<vmem>>
        %dma_wait3A_39 = tpu.memref_squeeze %dma_wait3A_38 : memref<1x128xi32, #tpu.memory_space<vmem>> -> memref<128xi32, #tpu.memory_space<vmem>>
        %dma_wait3A_40 = arith.constant 0 : i32
        %dma_wait3A_41 = arith.constant 0 : i32
        %dma_wait3A_42 = tpu.memref_slice %arg2[%dma_wait3A_40, %dma_wait3A_41] : memref<10000x128xf32, #tpu.memory_space<hbm>> -> memref<10000x128xf32, #tpu.memory_space<hbm>>
        tpu.wait_indirect_dma semaphore(%arg11 : memref<!tpu.dma_semaphore, #tpu.memory_space<semaphore_mem>>) src(%dma_wait3A_42 : memref<10000x128xf32, #tpu.memory_space<hbm>>) dst(%arg9 : memref<128x128xf32, #tpu.memory_space<vmem>>)
        "tpu.region"() ({
          %run_scoped3A = tpu.sem_alloc : memref<!tpu.dma_semaphore, #tpu.memory_space<semaphore_mem>>
          %dma_start3A_43 = arith.constant 0 : i32
          %dma_start3A_44 = tpu.memref_slice %arg8[%add3A_32, %dma_start3A_43] : memref<79x128xi32, #tpu.memory_space<vmem>> -> memref<1x128xi32, #tpu.memory_space<vmem>>
          %dma_start3A_45 = tpu.memref_squeeze %dma_start3A_44 : memref<1x128xi32, #tpu.memory_space<vmem>> -> memref<128xi32, #tpu.memory_space<vmem>>
          %dma_start3A_46 = arith.constant 0 : i32
          %dma_start3A_47 = arith.constant 0 : i32
          %dma_start3A_48 = tpu.memref_slice %arg10[%dma_start3A_46, %dma_start3A_47] : memref<10240x128xf32, #tpu.memory_space<vmem_shared>> -> memref<10240x128xf32, #tpu.memory_space<vmem_shared>>
          tpu.enqueue_indirect_dma source(%arg9 : memref<128x128xf32, #tpu.memory_space<vmem>>) target(%dma_start3A_48 : memref<10240x128xf32, #tpu.memory_space<vmem_shared>>) offsets(%dma_start3A_45 : memref<128xi32, #tpu.memory_space<vmem>>) semaphore(%run_scoped3A : memref<!tpu.dma_semaphore, #tpu.memory_space<semaphore_mem>>) {add = true}
          %dma_wait3A_49 = arith.constant 0 : i32
          %dma_wait3A_50 = tpu.memref_slice %arg8[%add3A_32, %dma_wait3A_49] : memref<79x128xi32, #tpu.memory_space<vmem>> -> memref<1x128xi32, #tpu.memory_space<vmem>>
          %dma_wait3A_51 = tpu.memref_squeeze %dma_wait3A_50 : memref<1x128xi32, #tpu.memory_space<vmem>> -> memref<128xi32, #tpu.memory_space<vmem>>
          %dma_wait3A_52 = arith.constant 0 : i32
          %dma_wait3A_53 = arith.constant 0 : i32
          %dma_wait3A_54 = tpu.memref_slice %arg10[%dma_wait3A_52, %dma_wait3A_53] : memref<10240x128xf32, #tpu.memory_space<vmem_shared>> -> memref<10240x128xf32, #tpu.memory_space<vmem_shared>>
          tpu.wait_indirect_dma semaphore(%run_scoped3A : memref<!tpu.dma_semaphore, #tpu.memory_space<semaphore_mem>>) src(%arg9 : memref<128x128xf32, #tpu.memory_space<vmem>>) dst(%dma_wait3A_54 : memref<10240x128xf32, #tpu.memory_space<vmem_shared>>)
          tpu.yield
        }) : () -> ()
      }
      %scan3A_27 = arith.constant 79 : i32
    } else {
    }
    %eq3A_14 = arith.constant 1 : i32
    %eq3A_15 = arith.cmpi eq, %arg0, %eq3A_14 : i32
    %convert_element_type3A_16 = arith.extui %eq3A_15 : i1 to i32
    %cond3A_17 = arith.constant 0 : i32
    %cond3A_18 = arith.cmpi ne, %convert_element_type3A_16, %cond3A_17 : i32
    scf.if %cond3A_18 {
      %scan3A_23 = arith.constant 0 : i32
      %scan3A_24 = arith.constant 79 : i32
      %scan3A_25 = arith.addi %scan3A_23, %scan3A_24 : i32
      %scan3A_26 = arith.constant 1 : i32
      scf.for %scan3A_28 = %scan3A_23 to %scan3A_25 step %scan3A_26  : i32 {
        %mul3A_29 = arith.constant 1 : i32
        %mul3A_30 = arith.muli %scan3A_28, %mul3A_29 : i32
        %add3A_31 = arith.constant 0 : i32
        %add3A_32 = arith.addi %add3A_31, %mul3A_30 : i32
        %dma_start3A = arith.constant 0 : i32
        %dma_start3A_33 = tpu.memref_slice %arg7[%add3A_32, %dma_start3A] : memref<79x128xi32, #tpu.memory_space<vmem>> -> memref<1x128xi32, #tpu.memory_space<vmem>>
        %dma_start3A_34 = tpu.memref_squeeze %dma_start3A_33 : memref<1x128xi32, #tpu.memory_space<vmem>> -> memref<128xi32, #tpu.memory_space<vmem>>
        %dma_start3A_35 = arith.constant 0 : i32
        %dma_start3A_36 = arith.constant 0 : i32
        %dma_start3A_37 = tpu.memref_slice %arg3[%dma_start3A_35, %dma_start3A_36] : memref<10000x128xf32, #tpu.memory_space<hbm>> -> memref<10000x128xf32, #tpu.memory_space<hbm>>
        tpu.enqueue_indirect_dma source(%dma_start3A_37 : memref<10000x128xf32, #tpu.memory_space<hbm>>) target(%arg9 : memref<128x128xf32, #tpu.memory_space<vmem>>) offsets(%dma_start3A_34 : memref<128xi32, #tpu.memory_space<vmem>>) semaphore(%arg11 : memref<!tpu.dma_semaphore, #tpu.memory_space<semaphore_mem>>)
        %dma_wait3A = arith.constant 0 : i32
        %dma_wait3A_38 = tpu.memref_slice %arg7[%add3A_32, %dma_wait3A] : memref<79x128xi32, #tpu.memory_space<vmem>> -> memref<1x128xi32, #tpu.memory_space<vmem>>
        %dma_wait3A_39 = tpu.memref_squeeze %dma_wait3A_38 : memref<1x128xi32, #tpu.memory_space<vmem>> -> memref<128xi32, #tpu.memory_space<vmem>>
        %dma_wait3A_40 = arith.constant 0 : i32
        %dma_wait3A_41 = arith.constant 0 : i32
        %dma_wait3A_42 = tpu.memref_slice %arg3[%dma_wait3A_40, %dma_wait3A_41] : memref<10000x128xf32, #tpu.memory_space<hbm>> -> memref<10000x128xf32, #tpu.memory_space<hbm>>
        tpu.wait_indirect_dma semaphore(%arg11 : memref<!tpu.dma_semaphore, #tpu.memory_space<semaphore_mem>>) src(%dma_wait3A_42 : memref<10000x128xf32, #tpu.memory_space<hbm>>) dst(%arg9 : memref<128x128xf32, #tpu.memory_space<vmem>>)
        "tpu.region"() ({
          %run_scoped3A = tpu.sem_alloc : memref<!tpu.dma_semaphore, #tpu.memory_space<semaphore_mem>>
          %dma_start3A_43 = arith.constant 0 : i32
          %dma_start3A_44 = tpu.memref_slice %arg8[%add3A_32, %dma_start3A_43] : memref<79x128xi32, #tpu.memory_space<vmem>> -> memref<1x128xi32, #tpu.memory_space<vmem>>
          %dma_start3A_45 = tpu.memref_squeeze %dma_start3A_44 : memref<1x128xi32, #tpu.memory_space<vmem>> -> memref<128xi32, #tpu.memory_space<vmem>>
          %dma_start3A_46 = arith.constant 0 : i32
          %dma_start3A_47 = arith.constant 0 : i32
          %dma_start3A_48 = tpu.memref_slice %arg10[%dma_start3A_46, %dma_start3A_47] : memref<10240x128xf32, #tpu.memory_space<vmem_shared>> -> memref<10240x128xf32, #tpu.memory_space<vmem_shared>>
          tpu.enqueue_indirect_dma source(%arg9 : memref<128x128xf32, #tpu.memory_space<vmem>>) target(%dma_start3A_48 : memref<10240x128xf32, #tpu.memory_space<vmem_shared>>) offsets(%dma_start3A_45 : memref<128xi32, #tpu.memory_space<vmem>>) semaphore(%run_scoped3A : memref<!tpu.dma_semaphore, #tpu.memory_space<semaphore_mem>>) {add = true}
          %dma_wait3A_49 = arith.constant 0 : i32
          %dma_wait3A_50 = tpu.memref_slice %arg8[%add3A_32, %dma_wait3A_49] : memref<79x128xi32, #tpu.memory_space<vmem>> -> memref<1x128xi32, #tpu.memory_space<vmem>>
          %dma_wait3A_51 = tpu.memref_squeeze %dma_wait3A_50 : memref<1x128xi32, #tpu.memory_space<vmem>> -> memref<128xi32, #tpu.memory_space<vmem>>
          %dma_wait3A_52 = arith.constant 0 : i32
          %dma_wait3A_53 = arith.constant 0 : i32
          %dma_wait3A_54 = tpu.memref_slice %arg10[%dma_wait3A_52, %dma_wait3A_53] : memref<10240x128xf32, #tpu.memory_space<vmem_shared>> -> memref<10240x128xf32, #tpu.memory_space<vmem_shared>>
          tpu.wait_indirect_dma semaphore(%run_scoped3A : memref<!tpu.dma_semaphore, #tpu.memory_space<semaphore_mem>>) src(%arg9 : memref<128x128xf32, #tpu.memory_space<vmem>>) dst(%dma_wait3A_54 : memref<10240x128xf32, #tpu.memory_space<vmem_shared>>)
          tpu.yield
        }) : () -> ()
      }
      %scan3A_27 = arith.constant 79 : i32
    } else {
    }
    %barrier3A_19 = arith.constant 0 : index
    tpu.barrier barrier_id(%barrier3A_19)
    %mul3A_20 = arith.constant 10240 : i32
    %mul3A_21 = arith.muli %arg0, %mul3A_20 : i32
    %add3A_22 = arith.addi %mul3A_21, %mul3A_6 : i32
    "tpu.region"() ({
      %run_scoped3A = tpu.sem_alloc : memref<!tpu.dma_semaphore, #tpu.memory_space<semaphore_mem>>
      %dma_start3A = arith.constant 0 : i32
      %dma_start3A_23 = tpu.memref_slice %arg6[%add3A_22, %dma_start3A] : memref<20480x128xf32, #tpu.memory_space<hbm>> -> memref<640x128xf32, #tpu.memory_space<hbm>>
      %dma_start3A_24 = arith.constant 0 : i32
      %dma_start3A_25 = tpu.memref_slice %arg10[%mul3A_6, %dma_start3A_24] : memref<10240x128xf32, #tpu.memory_space<vmem_shared>> -> memref<640x128xf32, #tpu.memory_space<vmem_shared>>
      tpu.enqueue_dma source(%dma_start3A_25 : memref<640x128xf32, #tpu.memory_space<vmem_shared>>) target(%dma_start3A_23 : memref<640x128xf32, #tpu.memory_space<hbm>>) target_semaphore(%run_scoped3A : memref<!tpu.dma_semaphore, #tpu.memory_space<semaphore_mem>>)
      %dma_wait3A = arith.constant 0 : i32
      %dma_wait3A_26 = tpu.memref_slice %arg6[%add3A_22, %dma_wait3A] : memref<20480x128xf32, #tpu.memory_space<hbm>> -> memref<640x128xf32, #tpu.memory_space<hbm>>
      %dma_wait3A_27 = arith.constant 0 : i32
      %dma_wait3A_28 = tpu.memref_slice %arg10[%mul3A_6, %dma_wait3A_27] : memref<10240x128xf32, #tpu.memory_space<vmem_shared>> -> memref<640x128xf32, #tpu.memory_space<vmem_shared>>
      tpu.wait_dma2 semaphore(%run_scoped3A : memref<!tpu.dma_semaphore, #tpu.memory_space<semaphore_mem>>) src(%dma_wait3A_28 : memref<640x128xf32, #tpu.memory_space<vmem_shared>>) dst(%dma_wait3A_26 : memref<640x128xf32, #tpu.memory_space<hbm>>)
      tpu.yield
    }) : () -> ()
    return
  }
}

#map = affine_map<(d0, d1) -> (0, 0, 0)>
#map1 = affine_map<(d0, d1) -> (0, 0)>
module attributes {stable_mosaic.version = 14 : i64} {
  func.func @k(%arg0: i32, %arg1: i32, %arg2: memref<32x79x128xi32, #tpu.memory_space<hbm>>, %arg3: memref<20480x128xf32, #tpu.memory_space<hbm>>, %arg4: memref<79x128xi32, #tpu.memory_space<vmem>>, %arg5: memref<128x128xf32, #tpu.memory_space<vmem>>, %arg6: memref<10240x128xf32, #tpu.memory_space<vmem_shared>>) attributes {dimension_semantics = [#tpu.dimension_semantics<core_parallel>, #tpu.dimension_semantics<subcore_parallel>], iteration_bounds = array<i64: 2, 16>, scalar_prefetch = 0 : i64, scratch_operands = 3 : i64, tpu.core_type = #tpu.core_type<sc_vector_subcore>, window_params = [{transform_indices = #map}, {transform_indices = #map1}]} {
    %mul3A = arith.constant 2 : i32
    %mul3A_0 = arith.muli %arg1, %mul3A : i32
    %add3A = arith.addi %mul3A_0, %arg0 : i32
    "tpu.region"() ({
      %run_scoped3A = tpu.sem_alloc : memref<!tpu.dma_semaphore, #tpu.memory_space<semaphore_mem>>
      %dma_start3A = arith.constant 0 : i32
      %dma_start3A_26 = arith.constant 0 : i32
      %dma_start3A_27 = tpu.memref_slice %arg2[%add3A, %dma_start3A, %dma_start3A_26] : memref<32x79x128xi32, #tpu.memory_space<hbm>> -> memref<1x79x128xi32, #tpu.memory_space<hbm>>
      %dma_start3A_28 = tpu.memref_squeeze %dma_start3A_27 : memref<1x79x128xi32, #tpu.memory_space<hbm>> -> memref<79x128xi32, #tpu.memory_space<hbm>>
      %dma_start3A_29 = arith.constant 0 : i32
      %dma_start3A_30 = arith.constant 0 : i32
      %dma_start3A_31 = tpu.memref_slice %arg2[%add3A, %dma_start3A_29, %dma_start3A_30] : memref<32x79x128xi32, #tpu.memory_space<hbm>> -> memref<1x79x128xi32, #tpu.memory_space<hbm>>
      %dma_start3A_32 = tpu.memref_squeeze %dma_start3A_31 : memref<1x79x128xi32, #tpu.memory_space<hbm>> -> memref<79x128xi32, #tpu.memory_space<hbm>>
      tpu.enqueue_dma source(%dma_start3A_32 : memref<79x128xi32, #tpu.memory_space<hbm>>) target(%arg4 : memref<79x128xi32, #tpu.memory_space<vmem>>) target_semaphore(%run_scoped3A : memref<!tpu.dma_semaphore, #tpu.memory_space<semaphore_mem>>)
      %dma_wait3A = arith.constant 0 : i32
      %dma_wait3A_33 = arith.constant 0 : i32
      %dma_wait3A_34 = tpu.memref_slice %arg2[%add3A, %dma_wait3A, %dma_wait3A_33] : memref<32x79x128xi32, #tpu.memory_space<hbm>> -> memref<1x79x128xi32, #tpu.memory_space<hbm>>
      %dma_wait3A_35 = tpu.memref_squeeze %dma_wait3A_34 : memref<1x79x128xi32, #tpu.memory_space<hbm>> -> memref<79x128xi32, #tpu.memory_space<hbm>>
      %dma_wait3A_36 = arith.constant 0 : i32
      %dma_wait3A_37 = arith.constant 0 : i32
      %dma_wait3A_38 = tpu.memref_slice %arg2[%add3A, %dma_wait3A_36, %dma_wait3A_37] : memref<32x79x128xi32, #tpu.memory_space<hbm>> -> memref<1x79x128xi32, #tpu.memory_space<hbm>>
      %dma_wait3A_39 = tpu.memref_squeeze %dma_wait3A_38 : memref<1x79x128xi32, #tpu.memory_space<hbm>> -> memref<79x128xi32, #tpu.memory_space<hbm>>
      tpu.wait_dma2 semaphore(%run_scoped3A : memref<!tpu.dma_semaphore, #tpu.memory_space<semaphore_mem>>) src(%dma_wait3A_39 : memref<79x128xi32, #tpu.memory_space<hbm>>) dst(%arg4 : memref<79x128xi32, #tpu.memory_space<vmem>>)
      tpu.yield
    }) : () -> ()
    %scan3A = arith.constant 0 : i32
    %scan3A_1 = arith.constant 128 : i32
    %scan3A_2 = arith.addi %scan3A, %scan3A_1 : i32
    %scan3A_3 = arith.constant 1 : i32
    scf.for %scan3A_26 = %scan3A to %scan3A_2 step %scan3A_3  : i32 {
      %mul3A_27 = arith.constant 1 : i32
      %mul3A_28 = arith.muli %scan3A_26, %mul3A_27 : i32
      %add3A_29 = arith.constant 0 : i32
      %add3A_30 = arith.addi %add3A_29, %mul3A_28 : i32
      %scan3A_31 = arith.constant 0 : i32
      %scan3A_32 = arith.constant 8 : i32
      %scan3A_33 = arith.addi %scan3A_31, %scan3A_32 : i32
      %scan3A_34 = arith.constant 1 : i32
      scf.for %scan3A_36 = %scan3A_31 to %scan3A_33 step %scan3A_34  : i32 {
        %mul3A_37 = arith.constant 1 : i32
        %mul3A_38 = arith.muli %scan3A_36, %mul3A_37 : i32
        %add3A_39 = arith.constant 0 : i32
        %add3A_40 = arith.addi %add3A_39, %mul3A_38 : i32
        %broadcast_in_dim3A = arith.constant 0.000000e+00 : f32
        %broadcast_in_dim3A_41 = vector.broadcast %broadcast_in_dim3A : f32 to vector<16xf32>
        %mul3A_42 = arith.constant 16 : i32
        %mul3A_43 = arith.muli %add3A_40, %mul3A_42 : i32
        %swap3A = arith.index_cast %add3A_30 : i32 to index
        %swap3A_44 = arith.index_cast %mul3A_43 : i32 to index
        %swap3A_45 = tpu.vector_load %arg5[%swap3A, %swap3A_44] {strides = array<i32>} : memref<128x128xf32, #tpu.memory_space<vmem>>, vector<1x16xf32>,
        %swap3A_46 = vector.shape_cast %swap3A_45 : vector<1x16xf32> to vector<16xf32>
        %swap3A_47 = vector.shape_cast %broadcast_in_dim3A_41 : vector<16xf32> to vector<1x16xf32>
        tpu.vector_store %arg5[%swap3A, %swap3A_44], %swap3A_47 {strides = array<i32>} : memref<128x128xf32, #tpu.memory_space<vmem>>, vector<1x16xf32>,
      }
      %scan3A_35 = arith.constant 8 : i32
    }
    %scan3A_4 = arith.constant 128 : i32
    %mul3A_5 = arith.constant 640 : i32
    %mul3A_6 = arith.muli %arg1, %mul3A_5 : i32
    %scan3A_7 = arith.constant 0 : i32
    %scan3A_8 = arith.constant 5 : i32
    %scan3A_9 = arith.addi %scan3A_7, %scan3A_8 : i32
    %scan3A_10 = arith.constant 1 : i32
    scf.for %scan3A_26 = %scan3A_7 to %scan3A_9 step %scan3A_10  : i32 {
      %mul3A_27 = arith.constant 1 : i32
      %mul3A_28 = arith.muli %scan3A_26, %mul3A_27 : i32
      %add3A_29 = arith.constant 0 : i32
      %add3A_30 = arith.addi %add3A_29, %mul3A_28 : i32
      %mul3A_31 = arith.constant 128 : i32
      %mul3A_32 = arith.muli %add3A_30, %mul3A_31 : i32
      %add3A_33 = arith.addi %mul3A_6, %mul3A_32 : i32
      "tpu.region"() ({
        %run_scoped3A = tpu.sem_alloc : memref<!tpu.dma_semaphore, #tpu.memory_space<semaphore_mem>>
        %dma_start3A = arith.constant 0 : i32
        %dma_start3A_34 = tpu.memref_slice %arg6[%add3A_33, %dma_start3A] : memref<10240x128xf32, #tpu.memory_space<vmem_shared>> -> memref<128x128xf32, #tpu.memory_space<vmem_shared>>
        %dma_start3A_35 = arith.constant 0 : i32
        %dma_start3A_36 = tpu.memref_slice %arg6[%add3A_33, %dma_start3A_35] : memref<10240x128xf32, #tpu.memory_space<vmem_shared>> -> memref<128x128xf32, #tpu.memory_space<vmem_shared>>
        tpu.enqueue_dma source(%arg5 : memref<128x128xf32, #tpu.memory_space<vmem>>) target(%dma_start3A_36 : memref<128x128xf32, #tpu.memory_space<vmem_shared>>) target_semaphore(%run_scoped3A : memref<!tpu.dma_semaphore, #tpu.memory_space<semaphore_mem>>)
        %dma_wait3A = arith.constant 0 : i32
        %dma_wait3A_37 = tpu.memref_slice %arg6[%add3A_33, %dma_wait3A] : memref<10240x128xf32, #tpu.memory_space<vmem_shared>> -> memref<128x128xf32, #tpu.memory_space<vmem_shared>>
        %dma_wait3A_38 = arith.constant 0 : i32
        %dma_wait3A_39 = tpu.memref_slice %arg6[%add3A_33, %dma_wait3A_38] : memref<10240x128xf32, #tpu.memory_space<vmem_shared>> -> memref<128x128xf32, #tpu.memory_space<vmem_shared>>
        tpu.wait_dma2 semaphore(%run_scoped3A : memref<!tpu.dma_semaphore, #tpu.memory_space<semaphore_mem>>) src(%arg5 : memref<128x128xf32, #tpu.memory_space<vmem>>) dst(%dma_wait3A_39 : memref<128x128xf32, #tpu.memory_space<vmem_shared>>)
        tpu.yield
      }) : () -> ()
    }
    %scan3A_11 = arith.constant 5 : i32
    %barrier3A = arith.constant 0 : index
    tpu.barrier barrier_id(%barrier3A)
    %scan3A_12 = arith.constant 0 : i32
    %scan3A_13 = arith.constant 128 : i32
    %scan3A_14 = arith.addi %scan3A_12, %scan3A_13 : i32
    %scan3A_15 = arith.constant 1 : i32
    scf.for %scan3A_26 = %scan3A_12 to %scan3A_14 step %scan3A_15  : i32 {
      %mul3A_27 = arith.constant 1 : i32
      %mul3A_28 = arith.muli %scan3A_26, %mul3A_27 : i32
      %add3A_29 = arith.constant 0 : i32
      %add3A_30 = arith.addi %add3A_29, %mul3A_28 : i32
      %broadcast_in_dim3A = arith.constant 1.000000e+00 : f32
      %broadcast_in_dim3A_31 = vector.broadcast %broadcast_in_dim3A : f32 to vector<16xf32>
      %swap3A = arith.index_cast %add3A_30 : i32 to index
      %swap3A_32 = arith.constant 0 : index
      %swap3A_33 = tpu.vector_load %arg5[%swap3A, %swap3A_32] {strides = array<i32>} : memref<128x128xf32, #tpu.memory_space<vmem>>, vector<1x16xf32>,
      %swap3A_34 = vector.shape_cast %swap3A_33 : vector<1x16xf32> to vector<16xf32>
      %swap3A_35 = vector.shape_cast %broadcast_in_dim3A_31 : vector<16xf32> to vector<1x16xf32>
      tpu.vector_store %arg5[%swap3A, %swap3A_32], %swap3A_35 {strides = array<i32>} : memref<128x128xf32, #tpu.memory_space<vmem>>, vector<1x16xf32>,
    }
    %scan3A_16 = arith.constant 128 : i32
    %scan3A_17 = arith.constant 0 : i32
    %scan3A_18 = arith.constant 79 : i32
    %scan3A_19 = arith.addi %scan3A_17, %scan3A_18 : i32
    %scan3A_20 = arith.constant 1 : i32
    scf.for %scan3A_26 = %scan3A_17 to %scan3A_19 step %scan3A_20  : i32 {
      %mul3A_27 = arith.constant 1 : i32
      %mul3A_28 = arith.muli %scan3A_26, %mul3A_27 : i32
      %add3A_29 = arith.constant 0 : i32
      %add3A_30 = arith.addi %add3A_29, %mul3A_28 : i32
      "tpu.region"() ({
        %run_scoped3A = tpu.sem_alloc : memref<!tpu.dma_semaphore, #tpu.memory_space<semaphore_mem>>
        %dma_start3A = arith.constant 0 : i32
        %dma_start3A_31 = tpu.memref_slice %arg4[%add3A_30, %dma_start3A] : memref<79x128xi32, #tpu.memory_space<vmem>> -> memref<1x128xi32, #tpu.memory_space<vmem>>
        %dma_start3A_32 = tpu.memref_squeeze %dma_start3A_31 : memref<1x128xi32, #tpu.memory_space<vmem>> -> memref<128xi32, #tpu.memory_space<vmem>>
        %dma_start3A_33 = arith.constant 0 : i32
        %dma_start3A_34 = arith.constant 0 : i32
        %dma_start3A_35 = tpu.memref_slice %arg6[%dma_start3A_33, %dma_start3A_34] : memref<10240x128xf32, #tpu.memory_space<vmem_shared>> -> memref<10240x128xf32, #tpu.memory_space<vmem_shared>>
        tpu.enqueue_indirect_dma source(%arg5 : memref<128x128xf32, #tpu.memory_space<vmem>>) target(%dma_start3A_35 : memref<10240x128xf32, #tpu.memory_space<vmem_shared>>) offsets(%dma_start3A_32 : memref<128xi32, #tpu.memory_space<vmem>>) semaphore(%run_scoped3A : memref<!tpu.dma_semaphore, #tpu.memory_space<semaphore_mem>>) {add = true}
        %dma_wait3A = arith.constant 0 : i32
        %dma_wait3A_36 = tpu.memref_slice %arg4[%add3A_30, %dma_wait3A] : memref<79x128xi32, #tpu.memory_space<vmem>> -> memref<1x128xi32, #tpu.memory_space<vmem>>
        %dma_wait3A_37 = tpu.memref_squeeze %dma_wait3A_36 : memref<1x128xi32, #tpu.memory_space<vmem>> -> memref<128xi32, #tpu.memory_space<vmem>>
        %dma_wait3A_38 = arith.constant 0 : i32
        %dma_wait3A_39 = arith.constant 0 : i32
        %dma_wait3A_40 = tpu.memref_slice %arg6[%dma_wait3A_38, %dma_wait3A_39] : memref<10240x128xf32, #tpu.memory_space<vmem_shared>> -> memref<10240x128xf32, #tpu.memory_space<vmem_shared>>
        tpu.wait_indirect_dma semaphore(%run_scoped3A : memref<!tpu.dma_semaphore, #tpu.memory_space<semaphore_mem>>) src(%arg5 : memref<128x128xf32, #tpu.memory_space<vmem>>) dst(%dma_wait3A_40 : memref<10240x128xf32, #tpu.memory_space<vmem_shared>>)
        tpu.yield
      }) : () -> ()
    }
    %scan3A_21 = arith.constant 79 : i32
    %barrier3A_22 = arith.constant 0 : index
    tpu.barrier barrier_id(%barrier3A_22)
    %mul3A_23 = arith.constant 10240 : i32
    %mul3A_24 = arith.muli %arg0, %mul3A_23 : i32
    %add3A_25 = arith.addi %mul3A_24, %mul3A_6 : i32
    "tpu.region"() ({
      %run_scoped3A = tpu.sem_alloc : memref<!tpu.dma_semaphore, #tpu.memory_space<semaphore_mem>>
      %dma_start3A = arith.constant 0 : i32
      %dma_start3A_26 = tpu.memref_slice %arg3[%add3A_25, %dma_start3A] : memref<20480x128xf32, #tpu.memory_space<hbm>> -> memref<640x128xf32, #tpu.memory_space<hbm>>
      %dma_start3A_27 = arith.constant 0 : i32
      %dma_start3A_28 = tpu.memref_slice %arg6[%mul3A_6, %dma_start3A_27] : memref<10240x128xf32, #tpu.memory_space<vmem_shared>> -> memref<640x128xf32, #tpu.memory_space<vmem_shared>>
      tpu.enqueue_dma source(%dma_start3A_28 : memref<640x128xf32, #tpu.memory_space<vmem_shared>>) target(%dma_start3A_26 : memref<640x128xf32, #tpu.memory_space<hbm>>) target_semaphore(%run_scoped3A : memref<!tpu.dma_semaphore, #tpu.memory_space<semaphore_mem>>)
      %dma_wait3A = arith.constant 0 : i32
      %dma_wait3A_29 = tpu.memref_slice %arg3[%add3A_25, %dma_wait3A] : memref<20480x128xf32, #tpu.memory_space<hbm>> -> memref<640x128xf32, #tpu.memory_space<hbm>>
      %dma_wait3A_30 = arith.constant 0 : i32
      %dma_wait3A_31 = tpu.memref_slice %arg6[%mul3A_6, %dma_wait3A_30] : memref<10240x128xf32, #tpu.memory_space<vmem_shared>> -> memref<640x128xf32, #tpu.memory_space<vmem_shared>>
      tpu.wait_dma2 semaphore(%run_scoped3A : memref<!tpu.dma_semaphore, #tpu.memory_space<semaphore_mem>>) src(%dma_wait3A_31 : memref<640x128xf32, #tpu.memory_space<vmem_shared>>) dst(%dma_wait3A_29 : memref<640x128xf32, #tpu.memory_space<hbm>>)
      tpu.yield
    }) : () -> ()
    return
  }
}

module attributes {stable_mosaic.version = 14 : i64} {
  func.func @body(%arg0: i32, %arg1: memref<1000x128xf32, #tpu.memory_space<vmem>>, %arg2: memref<128x128xf32, #tpu.memory_space<vmem>>, %arg3: memref<1000x128xf32, #tpu.memory_space<vmem>>, %arg4: memref<1000x128xf32, #tpu.memory_space<vmem>>, %arg5: memref<1000x128xf32, #tpu.memory_space<vmem>>, %arg6: memref<1000x128xf32, #tpu.memory_space<vmem>>) attributes {dimension_semantics = [#tpu.dimension_semantics<arbitrary>], iteration_bounds = array<i64: 10>, scalar_prefetch = 0 : i64, scratch_operands = 0 : i64, tpu.core_type = #tpu.core_type<tc>, window_params = [{transform_indices = @transform_0, window_bounds = array<i64: 1000, 128>}, {pipeline_mode = #tpu.pipeline_mode<synchronous>, transform_indices = @transform_1, window_bounds = array<i64: 128, 128>}, {transform_indices = @transform_2, window_bounds = array<i64: 1000, 128>}, {transform_indices = @transform_3, window_bounds = array<i64: 1000, 128>}, {transform_indices = @transform_4, window_bounds = array<i64: 1000, 128>}, {transform_indices = @transform_5, window_bounds = array<i64: 1000, 128>}]} {
    %get3A = arith.constant 0 : index
    %get3A_0 = arith.constant 0 : index
    %get3A_1 = vector.load %arg1[%get3A, %get3A_0] : memref<1000x128xf32, #tpu.memory_space<vmem>>, vector<1000x128xf32>
    %get3A_2 = arith.constant 0 : index
    %get3A_3 = arith.constant 0 : index
    %get3A_4 = vector.load %arg2[%get3A_2, %get3A_3] : memref<128x128xf32, #tpu.memory_space<vmem>>, vector<128x128xf32>
    %dot_general3A = arith.constant dense<0.000000e+00> : vector<1000x128xf32>
    %dot_general3A_5 = tpu.matmul %get3A_1, %get3A_4, %dot_general3A {dimension_numbers = #tpu.dot_dimension_numbers<[1], [0], [0], [1], [0, 0, 1, 1], [], []>, transpose_lhs_hint = false} : vector<1000x128xf32>, vector<128x128xf32>, vector<1000x128xf32> -> vector<1000x128xf32>
    %get3A_6 = arith.constant 0 : index
    %get3A_7 = arith.constant 0 : index
    %get3A_8 = vector.load %arg3[%get3A_6, %get3A_7] : memref<1000x128xf32, #tpu.memory_space<vmem>>, vector<1000x1xf32>
    %get3A_9 = arith.constant 0 : index
    %get3A_10 = arith.constant 0 : index
    %get3A_11 = vector.load %arg4[%get3A_9, %get3A_10] : memref<1000x128xf32, #tpu.memory_space<vmem>>, vector<1000x1xf32>
    %add3A = arith.addf %get3A_8, %get3A_11 : vector<1000x1xf32>
    %add3A_12 = arith.constant 1.000000e+00 : f32
    %add3A_13 = vector.broadcast %add3A_12 : f32 to vector<1000x1xf32>
    %add3A_14 = arith.addf %add3A, %add3A_13 : vector<1000x1xf32>
    %rsqrt3A = math.rsqrt %add3A_14 : vector<1000x1xf32>
    %mul3A = vector.broadcast %rsqrt3A : vector<1000x1xf32> to vector<1000x128xf32>
    %mul3A_15 = arith.mulf %dot_general3A_5, %mul3A : vector<1000x128xf32>
    %swap3A = arith.constant 0 : index
    %swap3A_16 = arith.constant 0 : index
    %swap3A_17 = vector.load %arg5[%swap3A, %swap3A_16] : memref<1000x128xf32, #tpu.memory_space<vmem>>, vector<1000x128xf32>
    tpu.vector_store %arg5[%swap3A, %swap3A_16], %mul3A_15 {strides = array<i32>} : memref<1000x128xf32, #tpu.memory_space<vmem>>, vector<1000x128xf32>,
    %swap3A_18 = arith.constant 0 : index
    %swap3A_19 = arith.constant 0 : index
    %swap3A_20 = vector.load %arg6[%swap3A_18, %swap3A_19] : memref<1000x128xf32, #tpu.memory_space<vmem>>, vector<1000x128xf32>
    tpu.vector_store %arg6[%swap3A_18, %swap3A_19], %mul3A_15 {strides = array<i32>} : memref<1000x128xf32, #tpu.memory_space<vmem>>, vector<1000x128xf32>,
    return
  }
  func.func @transform_0(%arg0: i32) -> (i32, i32) {
    %c0_i32 = arith.constant 0 : i32
    %c0_i32_0 = arith.constant 0 : i32
    return %arg0, %c0_i32 : i32, i32
  }
  func.func @transform_1(%arg0: i32) -> (i32, i32) {
    %c0_i32 = arith.constant 0 : i32
    %c0_i32_0 = arith.constant 0 : i32
    %c0_i32_1 = arith.constant 0 : i32
    return %c0_i32, %c0_i32_0 : i32, i32
  }
  func.func @transform_2(%arg0: i32) -> (i32, i32) {
    %c0_i32 = arith.constant 0 : i32
    %c0_i32_0 = arith.constant 0 : i32
    return %arg0, %c0_i32 : i32, i32
  }
  func.func @transform_3(%arg0: i32) -> (i32, i32) {
    %c0_i32 = arith.constant 0 : i32
    %c0_i32_0 = arith.constant 0 : i32
    return %arg0, %c0_i32 : i32, i32
  }
  func.func @transform_4(%arg0: i32) -> (i32, i32) {
    %c0_i32 = arith.constant 0 : i32
    %c0_i32_0 = arith.constant 0 : i32
    return %arg0, %c0_i32 : i32, i32
  }
  func.func @transform_5(%arg0: i32) -> (i32, i32) {
    %c0_i32 = arith.constant 0 : i32
    %c0_i32_0 = arith.constant 0 : i32
    return %arg0, %c0_i32 : i32, i32
  }
}

module attributes {stable_mosaic.version = 14 : i64} {
  func.func @body(%arg0: i32, %arg1: memref<1000x128xf32, #tpu.memory_space<vmem>>, %arg2: memref<1000x128xf32, #tpu.memory_space<vmem>>, %arg3: memref<1000x128xf32, #tpu.memory_space<vmem>>, %arg4: memref<1000x128xf32, #tpu.memory_space<vmem>>, %arg5: memref<1000x128xf32, #tpu.memory_space<vmem>>, %arg6: memref<1x128xf32, #tpu.memory_space<vmem>>, %arg7: memref<128x128xf32, #tpu.memory_space<vmem>>, %arg8: memref<1000x128xf32, #tpu.memory_space<vmem>>, %arg9: memref<1000x128xf32, #tpu.memory_space<vmem>>) attributes {dimension_semantics = [#tpu.dimension_semantics<arbitrary>], iteration_bounds = array<i64: 10>, scalar_prefetch = 0 : i64, scratch_operands = 0 : i64, tpu.core_type = #tpu.core_type<tc>, window_params = [{transform_indices = @transform_0, window_bounds = array<i64: 1000, 128>}, {transform_indices = @transform_1, window_bounds = array<i64: 1000, 128>}, {transform_indices = @transform_2, window_bounds = array<i64: 1000, 128>}, {transform_indices = @transform_3, window_bounds = array<i64: 1000, 128>}, {transform_indices = @transform_4, window_bounds = array<i64: 1000, 128>}, {pipeline_mode = #tpu.pipeline_mode<synchronous>, transform_indices = @transform_5, window_bounds = array<i64: 1, 128>}, {pipeline_mode = #tpu.pipeline_mode<synchronous>, transform_indices = @transform_6, window_bounds = array<i64: 128, 128>}, {transform_indices = @transform_7, window_bounds = array<i64: 1000, 128>}, {transform_indices = @transform_8, window_bounds = array<i64: 1000, 128>}]} {
    %get3A = arith.constant 0 : index
    %get3A_0 = arith.constant 0 : index
    %get3A_1 = vector.load %arg4[%get3A, %get3A_0] : memref<1000x128xf32, #tpu.memory_space<vmem>>, vector<1000x1xf32>
    %get3A_2 = arith.constant 0 : index
    %get3A_3 = arith.constant 0 : index
    %get3A_4 = vector.load %arg5[%get3A_2, %get3A_3] : memref<1000x128xf32, #tpu.memory_space<vmem>>, vector<1000x1xf32>
    %add3A = arith.addf %get3A_1, %get3A_4 : vector<1000x1xf32>
    %add3A_5 = arith.constant 1.000000e+00 : f32
    %add3A_6 = vector.broadcast %add3A_5 : f32 to vector<1000x1xf32>
    %add3A_7 = arith.addf %add3A, %add3A_6 : vector<1000x1xf32>
    %rsqrt3A = math.rsqrt %add3A_7 : vector<1000x1xf32>
    %get3A_8 = arith.constant 0 : index
    %get3A_9 = arith.constant 0 : index
    %get3A_10 = vector.load %arg1[%get3A_8, %get3A_9] : memref<1000x128xf32, #tpu.memory_space<vmem>>, vector<1000x128xf32>
    %get3A_11 = arith.constant 0 : index
    %get3A_12 = arith.constant 0 : index
    %get3A_13 = vector.load %arg2[%get3A_11, %get3A_12] : memref<1000x128xf32, #tpu.memory_space<vmem>>, vector<1000x128xf32>
    %add3A_14 = arith.addf %get3A_10, %get3A_13 : vector<1000x128xf32>
    %get3A_15 = arith.constant 0 : index
    %get3A_16 = arith.constant 0 : index
    %get3A_17 = vector.load %arg3[%get3A_15, %get3A_16] : memref<1000x128xf32, #tpu.memory_space<vmem>>, vector<1000x128xf32>
    %add3A_18 = arith.addf %add3A_14, %get3A_17 : vector<1000x128xf32>
    %mul3A = vector.broadcast %rsqrt3A : vector<1000x1xf32> to vector<1000x128xf32>
    %mul3A_19 = arith.mulf %add3A_18, %mul3A : vector<1000x128xf32>
    %get3A_20 = arith.constant 0 : index
    %get3A_21 = arith.constant 0 : index
    %get3A_22 = vector.load %arg6[%get3A_20, %get3A_21] : memref<1x128xf32, #tpu.memory_space<vmem>>, vector<1x128xf32>
    %add3A_23 = vector.broadcast %get3A_22 : vector<1x128xf32> to vector<1000x128xf32>
    %add3A_24 = arith.addf %mul3A_19, %add3A_23 : vector<1000x128xf32>
    %max3A = arith.constant 0.000000e+00 : f32
    %max3A_25 = vector.broadcast %max3A : f32 to vector<1000x128xf32>
    %max3A_26 = arith.maximumf %add3A_24, %max3A_25 : vector<1000x128xf32>
    %get3A_27 = arith.constant 0 : index
    %get3A_28 = arith.constant 0 : index
    %get3A_29 = vector.load %arg7[%get3A_27, %get3A_28] : memref<128x128xf32, #tpu.memory_space<vmem>>, vector<128x128xf32>
    %dot_general3A = arith.constant dense<0.000000e+00> : vector<1000x128xf32>
    %dot_general3A_30 = tpu.matmul %max3A_26, %get3A_29, %dot_general3A {dimension_numbers = #tpu.dot_dimension_numbers<[1], [0], [0], [1], [0, 0, 1, 1], [], []>, transpose_lhs_hint = false} : vector<1000x128xf32>, vector<128x128xf32>, vector<1000x128xf32> -> vector<1000x128xf32>
    %mul3A_31 = vector.broadcast %rsqrt3A : vector<1000x1xf32> to vector<1000x128xf32>
    %mul3A_32 = arith.mulf %dot_general3A_30, %mul3A_31 : vector<1000x128xf32>
    %swap3A = arith.constant 0 : index
    %swap3A_33 = arith.constant 0 : index
    %swap3A_34 = vector.load %arg8[%swap3A, %swap3A_33] : memref<1000x128xf32, #tpu.memory_space<vmem>>, vector<1000x128xf32>
    tpu.vector_store %arg8[%swap3A, %swap3A_33], %mul3A_32 {strides = array<i32>} : memref<1000x128xf32, #tpu.memory_space<vmem>>, vector<1000x128xf32>,
    %swap3A_35 = arith.constant 0 : index
    %swap3A_36 = arith.constant 0 : index
    %swap3A_37 = vector.load %arg9[%swap3A_35, %swap3A_36] : memref<1000x128xf32, #tpu.memory_space<vmem>>, vector<1000x128xf32>
    tpu.vector_store %arg9[%swap3A_35, %swap3A_36], %mul3A_32 {strides = array<i32>} : memref<1000x128xf32, #tpu.memory_space<vmem>>, vector<1000x128xf32>,
    return
  }
  func.func @transform_0(%arg0: i32) -> (i32, i32) {
    %c0_i32 = arith.constant 0 : i32
    %c0_i32_0 = arith.constant 0 : i32
    return %arg0, %c0_i32 : i32, i32
  }
  func.func @transform_1(%arg0: i32) -> (i32, i32) {
    %c0_i32 = arith.constant 0 : i32
    %c0_i32_0 = arith.constant 0 : i32
    return %arg0, %c0_i32 : i32, i32
  }
  func.func @transform_2(%arg0: i32) -> (i32, i32) {
    %c0_i32 = arith.constant 0 : i32
    %c0_i32_0 = arith.constant 0 : i32
    return %arg0, %c0_i32 : i32, i32
  }
  func.func @transform_3(%arg0: i32) -> (i32, i32) {
    %c0_i32 = arith.constant 0 : i32
    %c0_i32_0 = arith.constant 0 : i32
    return %arg0, %c0_i32 : i32, i32
  }
  func.func @transform_4(%arg0: i32) -> (i32, i32) {
    %c0_i32 = arith.constant 0 : i32
    %c0_i32_0 = arith.constant 0 : i32
    return %arg0, %c0_i32 : i32, i32
  }
  func.func @transform_5(%arg0: i32) -> (i32, i32) {
    %c0_i32 = arith.constant 0 : i32
    %c0_i32_0 = arith.constant 0 : i32
    %c0_i32_1 = arith.constant 0 : i32
    return %c0_i32, %c0_i32_0 : i32, i32
  }
  func.func @transform_6(%arg0: i32) -> (i32, i32) {
    %c0_i32 = arith.constant 0 : i32
    %c0_i32_0 = arith.constant 0 : i32
    %c0_i32_1 = arith.constant 0 : i32
    return %c0_i32, %c0_i32_0 : i32, i32
  }
  func.func @transform_7(%arg0: i32) -> (i32, i32) {
    %c0_i32 = arith.constant 0 : i32
    %c0_i32_0 = arith.constant 0 : i32
    return %arg0, %c0_i32 : i32, i32
  }
  func.func @transform_8(%arg0: i32) -> (i32, i32) {
    %c0_i32 = arith.constant 0 : i32
    %c0_i32_0 = arith.constant 0 : i32
    return %arg0, %c0_i32 : i32, i32
  }
}

module attributes {stable_mosaic.version = 14 : i64} {
  func.func @body(%arg0: i32, %arg1: memref<1000x128xf32, #tpu.memory_space<vmem>>, %arg2: memref<1000x128xf32, #tpu.memory_space<vmem>>, %arg3: memref<1000x128xf32, #tpu.memory_space<vmem>>, %arg4: memref<1000x128xf32, #tpu.memory_space<vmem>>, %arg5: memref<1000x128xf32, #tpu.memory_space<vmem>>, %arg6: memref<1x64xf32, #tpu.memory_space<vmem>>, %arg7: memref<1000x64xf32, #tpu.memory_space<vmem>>) attributes {dimension_semantics = [#tpu.dimension_semantics<arbitrary>], iteration_bounds = array<i64: 10>, scalar_prefetch = 0 : i64, scratch_operands = 0 : i64, tpu.core_type = #tpu.core_type<tc>, window_params = [{transform_indices = @transform_0, window_bounds = array<i64: 1000, 128>}, {transform_indices = @transform_1, window_bounds = array<i64: 1000, 128>}, {transform_indices = @transform_2, window_bounds = array<i64: 1000, 128>}, {transform_indices = @transform_3, window_bounds = array<i64: 1000, 128>}, {transform_indices = @transform_4, window_bounds = array<i64: 1000, 128>}, {pipeline_mode = #tpu.pipeline_mode<synchronous>, transform_indices = @transform_5, window_bounds = array<i64: 1, 64>}, {transform_indices = @transform_6, window_bounds = array<i64: 1000, 64>}]} {
    %get3A = arith.constant 0 : index
    %get3A_0 = arith.constant 0 : index
    %get3A_1 = vector.load %arg1[%get3A, %get3A_0] : memref<1000x128xf32, #tpu.memory_space<vmem>>, vector<1000x64xf32>
    %get3A_2 = arith.constant 0 : index
    %get3A_3 = arith.constant 0 : index
    %get3A_4 = vector.load %arg2[%get3A_2, %get3A_3] : memref<1000x128xf32, #tpu.memory_space<vmem>>, vector<1000x64xf32>
    %add3A = arith.addf %get3A_1, %get3A_4 : vector<1000x64xf32>
    %get3A_5 = arith.constant 0 : index
    %get3A_6 = arith.constant 0 : index
    %get3A_7 = vector.load %arg3[%get3A_5, %get3A_6] : memref<1000x128xf32, #tpu.memory_space<vmem>>, vector<1000x64xf32>
    %add3A_8 = arith.addf %add3A, %get3A_7 : vector<1000x64xf32>
    %get3A_9 = arith.constant 0 : index
    %get3A_10 = arith.constant 0 : index
    %get3A_11 = vector.load %arg4[%get3A_9, %get3A_10] : memref<1000x128xf32, #tpu.memory_space<vmem>>, vector<1000x1xf32>
    %get3A_12 = arith.constant 0 : index
    %get3A_13 = arith.constant 0 : index
    %get3A_14 = vector.load %arg5[%get3A_12, %get3A_13] : memref<1000x128xf32, #tpu.memory_space<vmem>>, vector<1000x1xf32>
    %add3A_15 = arith.addf %get3A_11, %get3A_14 : vector<1000x1xf32>
    %add3A_16 = arith.constant 1.000000e+00 : f32
    %add3A_17 = vector.broadcast %add3A_16 : f32 to vector<1000x1xf32>
    %add3A_18 = arith.addf %add3A_15, %add3A_17 : vector<1000x1xf32>
    %rsqrt3A = math.rsqrt %add3A_18 : vector<1000x1xf32>
    %mul3A = vector.broadcast %rsqrt3A : vector<1000x1xf32> to vector<1000x64xf32>
    %mul3A_19 = arith.mulf %add3A_8, %mul3A : vector<1000x64xf32>
    %get3A_20 = arith.constant 0 : index
    %get3A_21 = arith.constant 0 : index
    %get3A_22 = vector.load %arg6[%get3A_20, %get3A_21] : memref<1x64xf32, #tpu.memory_space<vmem>>, vector<1x64xf32>
    %add3A_23 = vector.broadcast %get3A_22 : vector<1x64xf32> to vector<1000x64xf32>
    %add3A_24 = arith.addf %mul3A_19, %add3A_23 : vector<1000x64xf32>
    %reduce_max3A = arith.constant dense<0xFF800000> : vector<1000xf32>
    %reduce_max3A_25 = vector.multi_reduction <maximumf>, %add3A_24, %reduce_max3A [1] : vector<1000x64xf32> to vector<1000xf32>
    %broadcast_in_dim3A = vector.shape_cast %reduce_max3A_25 : vector<1000xf32> to vector<1000x1xf32>
    %sub3A = vector.broadcast %broadcast_in_dim3A : vector<1000x1xf32> to vector<1000x64xf32>
    %sub3A_26 = arith.subf %add3A_24, %sub3A : vector<1000x64xf32>
    %exp3A = math.exp %sub3A_26 : vector<1000x64xf32>
    %reduce_sum3A = arith.constant dense<0.000000e+00> : vector<1000xf32>
    %reduce_sum3A_27 = vector.multi_reduction <add>, %exp3A, %reduce_sum3A [1] : vector<1000x64xf32> to vector<1000xf32>
    %broadcast_in_dim3A_28 = vector.shape_cast %reduce_sum3A_27 : vector<1000xf32> to vector<1000x1xf32>
    %log3A = math.log %broadcast_in_dim3A_28 : vector<1000x1xf32>
    %add3A_29 = arith.addf %log3A, %broadcast_in_dim3A : vector<1000x1xf32>
    %sub3A_30 = vector.broadcast %add3A_29 : vector<1000x1xf32> to vector<1000x64xf32>
    %sub3A_31 = arith.subf %add3A_24, %sub3A_30 : vector<1000x64xf32>
    %swap3A = arith.constant 0 : index
    %swap3A_32 = arith.constant 0 : index
    %swap3A_33 = vector.load %arg7[%swap3A, %swap3A_32] : memref<1000x64xf32, #tpu.memory_space<vmem>>, vector<1000x64xf32>
    tpu.vector_store %arg7[%swap3A, %swap3A_32], %sub3A_31 {strides = array<i32>} : memref<1000x64xf32, #tpu.memory_space<vmem>>, vector<1000x64xf32>,
    return
  }
  func.func @transform_0(%arg0: i32) -> (i32, i32) {
    %c0_i32 = arith.constant 0 : i32
    %c0_i32_0 = arith.constant 0 : i32
    return %arg0, %c0_i32 : i32, i32
  }
  func.func @transform_1(%arg0: i32) -> (i32, i32) {
    %c0_i32 = arith.constant 0 : i32
    %c0_i32_0 = arith.constant 0 : i32
    return %arg0, %c0_i32 : i32, i32
  }
  func.func @transform_2(%arg0: i32) -> (i32, i32) {
    %c0_i32 = arith.constant 0 : i32
    %c0_i32_0 = arith.constant 0 : i32
    return %arg0, %c0_i32 : i32, i32
  }
  func.func @transform_3(%arg0: i32) -> (i32, i32) {
    %c0_i32 = arith.constant 0 : i32
    %c0_i32_0 = arith.constant 0 : i32
    return %arg0, %c0_i32 : i32, i32
  }
  func.func @transform_4(%arg0: i32) -> (i32, i32) {
    %c0_i32 = arith.constant 0 : i32
    %c0_i32_0 = arith.constant 0 : i32
    return %arg0, %c0_i32 : i32, i32
  }
  func.func @transform_5(%arg0: i32) -> (i32, i32) {
    %c0_i32 = arith.constant 0 : i32
    %c0_i32_0 = arith.constant 0 : i32
    %c0_i32_1 = arith.constant 0 : i32
    return %c0_i32, %c0_i32_0 : i32, i32
  }
  func.func @transform_6(%arg0: i32) -> (i32, i32) {
    %c0_i32 = arith.constant 0 : i32
    %c0_i32_0 = arith.constant 0 : i32
    return %arg0, %c0_i32 : i32, i32
  }
}

</mosaic_0001>

<sc_bundles>
// kernel: kernel.11.cloned.1.call-start
scs
__scs_entry_jumppad:
0x0: {  	(pc) =	sbr.rel $0x88, $3  }
0x1: {  	(tag) =	ssettag $0x0;
	lr =	simm.s32 $0x1  }
0x2: {  	[smem:$0x3F9B] =	sst lr;
	_ =	strace $0xD0000000  }
0x3: {  	_ = 	snop  }
0x4: {  	_ = 	snop  }
0x5: {  	_ = 	snop  }
0x6: {  	_ = 	snop  }
0x7: {  	_ = 	snop  }
__scs_overlays_trampoline_lowered:
0x8: {  	[smem:$0x3FAA] =	sst s0  }
0x9: {  	[smem:$0x3FAB] =	sst s1  }
0xa: {  	[smem:$0x3FAC] =	sst s2  }
0xb: {  	[smem:$0x3FAD] =	sst s3  }
0xc: {  	[smem:$0x3FAE] =	sst s4  }
0xd: {  	[smem:$0x3FAF] =	sst s5  }
0xe: {  	[smem:$0x3FB0] =	sst s6  }
0xf: {  	[smem:$0x3FB1] =	sst s7  }
0x10: {  	[smem:$0x3FB2] =	sst s8  }
0x11: {  	[smem:$0x3FB3] =	sst s9;
	s0 =	simm.s32 @!p0 $0x0  }
0x12: {  	s1 =	sld [smem:$0x3F99];
	s0 =	simm.s32 @p0 $0x1  }
0x13: {  	[smem:$0x3FB4] =	sst s0;
	s0 =	simm.s32 @!p1 $0x0  }
0x14: {  	s2 =	sld [smem:$0x3F98];
	s0 =	simm.s32 @p1 $0x1  }
0x15: {  	[smem:$0x3FB5] =	sst s0;
	s0 =	simm.s32 @!p2 $0x0  }
0x16: {  	s3 =	sld [smem:$0x3FDB];
	s0 =	simm.s32 @p2 $0x1  }
0x17: {  	s4 =	simm.s32 $0x1BF5;
	[smem:$0x3FB7] =	sst s0  }
0x18: {  	s0 =	sld [smem:$0x3F9A];
	_ =	swait.ge [sflag:s4], $0x0  }
0x19: {  	s7 =	sld [smem:$0x3F9B]  }
0x1a: {  	s8 =	sadd.s32 $0xFFFFE003, lr  }
0x1b: {  	s9 =	sadd.s32 $0xFFFFFEF7, lr;
	s5 =	simm.s32 $0xFFFFFFFF;
	p2 =	slt.u32 s8, $0xFFFFF086  }
0x1c: {  	p1 =	slt.u32 s9, $0xF7A;
	s5 =	simm.s32 @!p2 $0x0  }
0x1d: {  	s5 =	simm.s32 @p1 $0x1;
	p0 =	seq.s32 s7, s2  }
0x1e: {  	s7 =	smul.u32 @!p0 $0xF7A, s2;
	p2 =	seq.s32 @!p0 s5, $0x0  }
0x1f: {  	s9 =	smul.u32 $0xF7A, s1;
	s8 =	simm.s32 @!p0 $0x1BF5;
	p2 =	por !p2, p0  }
0x20: {  	[sflag:s8] =	ssyncset.s32 @!p0 $0xFFFFF086;
	s6 =	sadd.s32 @!p0 s3, s7;
	s7 =	simm.s32 @!p0 $0x108  }
0x21: {  	s3 =	sadd.s32 s3, s9;
	s6 =	sadd.s32 @!p0 $0x88, s6;
	s7 =	simm.s32 @p2 $0x1082  }
0x22: {  	[simem:s7], [sflag:s8] =	dma.local @!p0 [hbm:s6], $0xF7A  }
0x23: {  	s9 =	sor.u32 $0xD0000000, s2;
	s6 =	simm.s32 $0x108;
	_ =	swait.ge @!p0 [sflag:s8], $0x0  }
0x24: {  	s3 =	sadd.s32 $0x88, s3;
	s6 =	simm.s32 @!p1 $0x1082;
	[sflag:s4] =	ssyncset.s32 $0xFFFFF086  }
0x25: {  	[simem:s6], [sflag:s4] =	dma.local [hbm:s3], $0xF7A  }
0x26: {  	[smem:$0x3F9B] =	sst s1;
	(tag) =	ssettag s2;
	_ =	strace s9  }
0x27: {  	s1 =	sld [smem:$0x3FAB]  }
0x28: {  	s2 =	sld [smem:$0x3FAC]  }
0x29: {  	s4 =	sld [smem:$0x3FAE]  }
0x2a: {  	p0 =	seq.s32 s5, $0x0;
	s5 =	sld [smem:$0x3FAF]  }
0x2b: {  	s6 =	sld [smem:$0x3FB0]  }
0x2c: {  	s7 =	sld [smem:$0x3FB1]  }
0x2d: {  	s3 =	simm.s32 $0x108;
	s8 =	sld [smem:$0x3FB2]  }
0x2e: {  	s3 =	simm.s32 @!p0 $0x1082;
	s9 =	sld [smem:$0x3FB3]  }
0x2f: {  	lr =	sadd.s32 s0, s3;
	s0 =	sld [smem:$0x3FAA]  }
0x30: {  	s3 =	sld [smem:$0x3FAD]  }
0x31: {  	[smem:$0x3FB6] =	sst s10  }
0x32: {  	s10 =	sld [smem:$0x3FB4];
	_ =	sdelay $0x3  }
0x33: {  	p0 =	seq.s32 s10, $0x1;
	s10 =	sld [smem:$0x3FB6];
	_ =	sdelay $0x3  }
0x34: {  	[smem:$0x3FB6] =	sst s10  }
0x35: {  	s10 =	sld [smem:$0x3FB5];
	_ =	sdelay $0x3  }
0x36: {  	p1 =	seq.s32 s10, $0x1;
	s10 =	sld [smem:$0x3FB6];
	_ =	sdelay $0x3  }
0x37: {  	[smem:$0x3FB6] =	sst s10  }
0x38: {  	s10 =	sld [smem:$0x3FB7]  }
0x39: {  	_ = 	snop;
	(pc) =	sbr.ind lr, $3  }
0x3a: {  	_ = 	snop  }
0x3b: {  	_ = 	snop  }
0x3c: {  	p2 =	seq.s32 s10, $0x1;
	s10 =	sld [smem:$0x3FB6]  }
0x3d: {  	_ =	shalt  }
0x3e: {  	_ =	shalt  }
0x3f: {  	_ =	shalt  }
0x40: {  	_ =	shalt  }
0x41: {  	_ =	shalt  }
0x42: {  	_ =	shalt  }
0x43: {  	_ =	shalt  }
0x44: {  	_ =	shalt  }
0x45: {  	_ =	shalt  }
0x46: {  	_ =	shalt  }
0x47: {  	_ =	shalt  }
0x48: {  	_ =	shalt  }
0x49: {  	_ =	shalt  }
0x4a: {  	_ =	shalt  }
0x4b: {  	_ =	shalt  }
0x4c: {  	_ =	shalt  }
0x4d: {  	_ =	shalt  }
0x4e: {  	_ =	shalt  }
0x4f: {  	_ =	shalt  }
0x50: {  	_ =	shalt  }
0x51: {  	_ =	shalt  }
0x52: {  	_ =	shalt  }
0x53: {  	_ =	shalt  }
0x54: {  	_ =	shalt  }
0x55: {  	_ =	shalt  }
0x56: {  	_ =	shalt  }
0x57: {  	_ =	shalt  }
0x58: {  	_ =	shalt  }
0x59: {  	_ =	shalt  }
0x5a: {  	_ =	shalt  }
0x5b: {  	_ =	shalt  }
0x5c: {  	_ =	shalt  }
0x5d: {  	_ =	shalt  }
0x5e: {  	_ =	shalt  }
0x5f: {  	_ =	shalt  }
0x60: {  	_ =	shalt  }
0x61: {  	_ =	shalt  }
0x62: {  	_ =	shalt  }
0x63: {  	_ =	shalt  }
0x64: {  	_ =	shalt  }
0x65: {  	_ =	shalt  }
0x66: {  	_ =	shalt  }
0x67: {  	_ =	shalt  }
0x68: {  	_ =	shalt  }
0x69: {  	_ =	shalt  }
0x6a: {  	_ =	shalt  }
0x6b: {  	_ =	shalt  }
0x6c: {  	_ =	shalt  }
0x6d: {  	_ =	shalt  }
0x6e: {  	_ =	shalt  }
0x6f: {  	_ =	shalt  }
0x70: {  	_ =	shalt  }
0x71: {  	_ =	shalt  }
0x72: {  	_ =	shalt  }
0x73: {  	_ =	shalt  }
0x74: {  	_ =	shalt  }
0x75: {  	_ =	shalt  }
0x76: {  	_ =	shalt  }
0x77: {  	_ =	shalt  }
0x78: {  	_ =	shalt  }
0x79: {  	_ =	shalt  }
0x7a: {  	_ =	shalt  }
0x7b: {  	_ =	shalt  }
0x7c: {  	_ =	shalt  }
0x7d: {  	_ =	shalt  }
0x7e: {  	_ =	shalt  }
0x7f: {  	_ =	shalt  }
0x80: {  	_ =	shalt  }
0x81: {  	_ =	shalt  }
0x82: {  	_ =	shalt  }
0x83: {  	_ =	shalt  }
0x84: {  	_ =	shalt  }
0x85: {  	_ =	shalt  }
0x86: {  	_ =	shalt  }
0x87: {  	_ =	shalt  }
.Lfunc_end0:
.L_simem_size_0:
called_computation.1_lowered:
.L_overlay_start_0:
0x88: {  	s2 =	sld [smem:$0x3FD9]  }
0x89: {  	s3 =	sld [smem:$0x3FFE];
	_ =	sdelay $0x1  }
0x8a: {  	s1 =	srdreg.scid  }
0x8b: {  	s0 =	sand.u32 $0x1, s1  }
0x8c: {  	s17 =	sshll.u32 s0, $0xA;
	s2 =	sadd.s32 s3, s2  }
0x8d: {  	s2 =	sadd.s32 s2, s17  }
0x8e: {  	[smem:$0x3FC2] =	sst s2  }
0x8f: {  	_ = 	snop  }
0x90: {  	s2 =	sld [smem:$0x3FD0];
	(tm) =	ssettm $0x1  }
0x91: {  	s18 =	sld [smem:$0x3FFB];
	_ =	sdelay $0x3  }
0x92: {  	_ =	strace s18  }
0x93: {  	s3 =	sld [smem:$0x3FFC];
	_ =	sdelay $0x3  }
0x94: {  	_ =	strace s3  }
0x95: {  	s3 =	sld [smem:$0x3FFD];
	_ =	sdelay $0x3  }
0x96: {  	_ =	strace s3  }
0x97: {  	_ =	strace $0x8FFFFFFF  }
0x98: {  	s19 =	sld [smem:$0x3FDB];
	_ =	sdelay $0x1  }
0x99: {  	s4 =	simm.s32 $_scs_section_size  }
0x9a: {  	s5 =	simm.s32 $_size__tile_overlayer_lowered;
	s6 =	simm.s32 $_tile_overlayer_lowered  }
0x9b: {  	s22 =	simm.s32 $0x1BFF;
	s21 =	sshll.u32 s6, $0x1;
	s3 =	sadd.s32 s4, s19  }
0x9c: {  	s7 =	simm.s32 $0x0;
	s20 =	sshll.u32 s5, $0x1;
	s5 =	sadd.s32 s21, s3  }
0x9d: {  	[timem:s7], [sflag:s22] =	dma.local [hbm:s5], s20  }
0x9e: {  	_ =	swait.ge [sflag:s22], s20  }
0x9f: {  	s4 =	ssub.s32 $0x0, s20;
	[sflag:s22] =	ssyncset.done $0x0  }
0xa0: {  	[sflag:s22] =	ssyncadd.s32 s4;
	_ =	sdelay $0x1  }
0xa1: {  	s23 =	simm.s32 $0x1B8B  }
0xa2: {  	_ =	swait.ge [sflag:s23], $0x1  }
0xa3: {  	[sflag:s23] =	ssyncset.done $0x0  }
0xa4: {  	s25 =	simm.s32 $0x1B8E;
	s24 =	sld [smem:$0x3FFE];
	[sflag:s23] =	ssyncadd.s32 $0xFFFFFFFF  }
0xa5: {  	s26 =	simm.s32 $execute0_lowered;
	[smem:$0x3FD2] =	sst s25  }
0xa6: {  	s5 =	sshll.u32 s26, $0x1;
	_ =	strace $0x80000049;
	[dreg:$0x1] =	wrdreg $0xFFFFFFFF  }
0xa7: {  	s28 =	simm.s32 $_size_execute0_lowered;
	s3 =	sadd.s32 s3, s5;
	[dreg:$0x0] =	wrdreg $0x0  }
0xa8: {  	s5 =	sshll.u32 s28, $0x1;
	[dreg:$0x2] =	wrdreg s3  }
0xa9: {  	[dreg:$0x3] =	wrdreg s5  }
0xaa: {  	[dreg:$0x4] =	wrdreg $0xC0  }
0xab: {  	_ =	task [dreg:s7], $0x5FFFF  }
0xac: {  	[dreg:$0x1] =	wrdreg $0xFFFFFFFF  }
0xad: {  	[dreg:$0x0] =	wrdreg $0x60  }
0xae: {  	[dreg:$0x2] =	wrdreg s24  }
0xaf: {  	[dreg:$0x3] =	wrdreg s2  }
0xb0: {  	[dreg:$0x4] =	wrdreg $0x90000  }
0xb1: {  	[dreg:$0x5] =	wrdreg $0x9  }
0xb2: {  	_ =	task.clear_ibuf [dreg:s7], $0x6FFFF;
	_ =	strace $0x90000049  }
0xb3: {  	s29 =	simm.s32 $0x9;
	_ =	strace $0x8000004B  }
0xb4: {  	_ =	swait.ge [sflag:s29], $0x1  }
0xb5: {  	[sflag:s29] =	ssyncadd.s32 $0xFFFFFFFF  }
0xb6: {  	_ =	strace $0x9000004B  }
0xb7: {  	_ =	sfence  }
0xb8: {  	s30 =	sld [smem:$0x0];
	_ =	sdelay $0x2  }
0xb9: {  	s31 =	sshll.u32 s1, $0xD;
	s1 =	sshrl.u32 s1, $0x2  }
0xba: {  	s3 =	sand.u32 $0x4000, s31;
	s1 =	sadd.s32 s1, s30  }
0xbb: {  	s0 =	sor.u32 s3, s0;
	s1 =	sshll.u32 s1, $0x11  }
0xbc: {  	s0 =	sor.u32 s1, s0  }
0xbd: {  	s0 =	sadd.s32 $0x8F2B, s0  }
0xbe: {  	[sflag:s0] =	ssyncadd.remote.s32 $0x1  }
0xbf: {  	_ =	sfence.sel $0xFFFF  }
0xc0: {  	[dreg:$0x0] =	wrdreg $0xFFFFFFFF;
	(pc) =	sbr.abs _section_cstart, $3  }
0xc1: {  	[dreg:$0x1] =	wrdreg $0xFFFFFFFF  }
0xc2: {  	_ =	task.clear_ibuf [dreg:s7], $0x2FFFF;
	_ =	strace $0x9FFFFFFF  }
0xc3: {  	(tm) =	ssettm $0x7FFFFFFF  }
tec
execute0_lowered:
.L_overlay_start_1:
0x0: {  	(tag) =	ssettag $0x1  }
0x1: {  	s6 =	rddreg [dreg:$0x0]  }
0x2: {  	s7 =	rddreg [dreg:$0x1]  }
0x3: {  	s1 =	rddreg [dreg:$0x2]  }
0x4: {  	s0 =	rddreg [dreg:$0x3];
	s3 =	simm.s32 $0x0;
	s4 =	srdreg.scid  }
0x5: {  	s2 =	stileid.u32;
	s15 =	simm.s32 $0x2;
	s16 =	simm.s32 $0x2800  }
0x6: {  	s17 =	simm.s32 $0x5000;
	s18 =	simm.s32 $0x80;
	s19 =	simm.s32 $0x1  }
0x7: {  	s22 =	simm.s32 $0x0;
	[smem:$0x7FF] =	sst s3;
	s9 =	sand.u32 $0x1, s4  }
0x8: {  	s28 =	sshll.u32 s2, $0x1;
	s8 =	smul.u32 $0x2800, s2;
	s4 =	sadd.s32 $0x29C00, s6  }
0x9: {  	s5 =	sadd.s32 $0x83C00, s6;
	s12 =	smul.u32 $0x50000, s2;
	s20 =	sshll.u32 s2, $0x6  }
0xa: {  	_ =	strace $0x8000004A;
	s10 =	sor.u32 s9, s28;
	s11 =	smul.u32 $0x28000, s9  }
0xb: {  	s29 =	ssub.s32 $0x2, s9;
	p0 =	seq.s32 s9, $0x1;
	s20 =	sor.u32 $0x1C02, s20  }
0xc: {  	s10 =	smul.u32 $0x500, s10;
	s30 =	sshrl.u32 s29, $0x1;
	s31 =	sshrl.u32 s12, $0x2  }
.Ltmp0:
0xd: {  	s8 =	sadd.s32 s8, s11;
	s11 =	ssub.s32 s29, s30;
	(pc) =	sbr.rel .LBB2_1-.Ltmp0, $4  }
0xe: {  	s13 =	sadd.s32 s10, s6;
	s14 =	sadd.s32 s8, s6;
	s7 =	sadd.s32 s7, s10  }
0xf: {  	s8 =	sadd.s32 s31, s1;
	s10 =	smax.u32 s11, $0x1;
	s6 =	sadd.s32 $0x52A00, s13  }
0x10: {  	s9 =	sadd.s32 $0xAAE00, s14;
	s11 =	sadd.s32 $0x4000, s8;
	s12 =	sadd.s32 $0x8000, s8  }
0x11: {  	v0 =	vimm.f32 $0.0e+00;
	s13 =	sadd.s32 $0xC000, s8;
	s14 =	sadd.s32 $0x10000, s8;
	s21 =	sshrl.u32 s8, $0x3  }
.LBB2_6:
0x12: {  	s23 =	sshra.s32 s23, $0x2;
	[sflag:s15] =	ssyncadd.s32 $0xFFFFC000  }
0x13: {  	[tilespmem:s17], [sflag:$0x1] =	stream.indirect.gather [hbm4b:s4+s18], $0x80, s23, s18, $0xb8;
	[tilespmem:$0x1D000] =	vst v63  }
0x14: {  	_ =	swait.ge [sflag:s19], $0x4000  }
0x15: {  	[sflag:s19] =	ssyncset.done $0x0  }
0x16: {  	s23 =	sadd.s32 $0x2800, s23;
	[sflag:s19] =	ssyncadd.s32 $0xFFFFC000  }
0x17: {  	[spmem:s1] =	stream.indirect.scatter.add.f32 [tilespmem:s17], [sflag:$0x2], $0x80, s23, s18, $0xb8;
	[tilespmem:$0x1D000] =	vst v63  }
0x18: {  	_ =	swait.ge [sflag:s15], $0x4000  }
0x19: {  	[sflag:s15] =	ssyncset.done $0x0  }
0x1a: {  	[sflag:s15] =	ssyncadd.s32 $0xFFFFC000  }
.LBB2_10:
0x1b: {  	s22 =	sadd.s32 $0x1, s22  }
0x1c: {  	p1 =	sne.s32 s22, s10  }
.Ltmp1:
0x1d: {  	[bflag:$0x0] =	sbarrier.arrive $0xFFFF;
	(pc) =	sbr.rel @!p1 .LBB2_11-.Ltmp1, $4  }
0x1e: {  	[hbm:s9], [sflag:s20] =	dma.local [spmem:s21], $0x2800  }
0x1f: {  	_ =	swait.ge [sflag:s15], $0x2800  }
0x20: {  	[sflag:s15] =	ssyncset.done $0x0  }
0x21: {  	[sflag:s15] =	ssyncadd.s32 $0xFFFFD800  }
.LBB2_1:
0x22: {  	[tilespmem:s3], [sflag:$0x2] =	stream.linear.gather [hbm4b:s6+s3], $0x2780, $0x38;
	[tilespmem:$0x1D000] =	vst v63  }
0x23: {  	_ =	swait.ge [sflag:s15], $0x2780  }
0x24: {  	[sflag:s15] =	ssyncset.done $0x0  }
0x25: {  	[sflag:s15] =	ssyncadd.s32 $0xFFFFD880  }
0x26: {  	[tilespmem:s16], [sflag:$0x2] =	stream.linear.gather [hbm4b:s7+s3], $0x2780, $0x38;
	[tilespmem:$0x1D000] =	vst v63  }
0x27: {  	_ =	swait.ge [sflag:s15], $0x2780  }
0x28: {  	[sflag:s15] =	ssyncset.done $0x0  }
0x29: {  	s23 =	simm.s32 $0x0;
	s24 =	simm.s32 $0x200;
	[sflag:s15] =	ssyncadd.s32 $0xFFFFD880  }
.LBB2_2:
0x2a: {  	p1 =	sne.s32 s24, $0xFE00;
	[tilespmem:s23+$0x5070] =	vst v0  }
0x2b: {  	[tilespmem:s23+$0x5000] =	vst v0  }
0x2c: {  	[tilespmem:s23+$0x5010] =	vst v0  }
.Ltmp2:
0x2d: {  	[tilespmem:s23+$0x5020] =	vst v0;
	(pc) =	sbr.rel @p1 .LBB2_2-.Ltmp2, $4  }
0x2e: {  	[tilespmem:s23+$0x5030] =	vst v0  }
0x2f: {  	[tilespmem:s23+$0x5040] =	vst v0  }
0x30: {  	[tilespmem:s23+$0x5050] =	vst v0  }
0x31: {  	[tilespmem:s23+$0x5060] =	vst v0;
	s23 =	sshra.s32 s24, $0x2;
	s24 =	sadd.s32 $0x200, s24  }
0x32: {  	[tilespmem:s23+$0x5070] =	vst v0  }
0x33: {  	[tilespmem:s23+$0x5000] =	vst v0  }
0x34: {  	[tilespmem:s23+$0x5010] =	vst v0  }
0x35: {  	[tilespmem:s23+$0x5020] =	vst v0  }
0x36: {  	[tilespmem:s23+$0x5030] =	vst v0  }
0x37: {  	[tilespmem:s23+$0x5040] =	vst v0  }
0x38: {  	[tilespmem:s23+$0x5050] =	vst v0  }
0x39: {  	[tilespmem:s23+$0x5060] =	vst v0  }
0x3a: {  	[spmem:s8] =	stream.linear.scatter [tilespmem:s17], [sflag:$0x2], $0x4000, $0x38;
	[tilespmem:$0x1D000] =	vst v63  }
0x3b: {  	_ =	swait.ge [sflag:s15], $0x4000  }
0x3c: {  	[sflag:s15] =	ssyncset.done $0x0  }
0x3d: {  	[sflag:s15] =	ssyncadd.s32 $0xFFFFC000  }
0x3e: {  	[spmem:s11] =	stream.linear.scatter [tilespmem:s17], [sflag:$0x2], $0x4000, $0x38;
	[tilespmem:$0x1D000] =	vst v63  }
0x3f: {  	_ =	swait.ge [sflag:s15], $0x4000  }
0x40: {  	[sflag:s15] =	ssyncset.done $0x0  }
0x41: {  	[sflag:s15] =	ssyncadd.s32 $0xFFFFC000  }
0x42: {  	[spmem:s12] =	stream.linear.scatter [tilespmem:s17], [sflag:$0x2], $0x4000, $0x38;
	[tilespmem:$0x1D000] =	vst v63  }
0x43: {  	_ =	swait.ge [sflag:s15], $0x4000  }
0x44: {  	[sflag:s15] =	ssyncset.done $0x0  }
0x45: {  	[sflag:s15] =	ssyncadd.s32 $0xFFFFC000  }
0x46: {  	[spmem:s13] =	stream.linear.scatter [tilespmem:s17], [sflag:$0x2], $0x4000, $0x38;
	[tilespmem:$0x1D000] =	vst v63  }
0x47: {  	_ =	swait.ge [sflag:s15], $0x4000  }
0x48: {  	[sflag:s15] =	ssyncset.done $0x0  }
0x49: {  	[sflag:s15] =	ssyncadd.s32 $0xFFFFC000  }
0x4a: {  	[spmem:s14] =	stream.linear.scatter [tilespmem:s17], [sflag:$0x2], $0x4000, $0x38;
	[tilespmem:$0x1D000] =	vst v63  }
.Ltmp3:
0x4b: {  	_ =	swait.ge [sflag:s15], $0x4000;
	(pc) =	sbr.rel @!p0 .LBB2_4-.Ltmp3, $4  }
0x4c: {  	[sflag:s15] =	ssyncset.done $0x0  }
0x4d: {  	[sflag:s15] =	ssyncadd.s32 $0xFFFFC000  }
0x4e: {  	[bflag:$0x0] =	sbarrier.arrive $0xFFFF  }
0x4f: {  	s23 =	simm.s32 $0x0  }
0x50: {  	[tilespmem:s17], [sflag:$0x1] =	stream.indirect.gather [hbm4b:s5+s18], $0x80, s23, s18, $0xb8;
	[tilespmem:$0x1D000] =	vst v63  }
0x51: {  	_ =	swait.ge [sflag:s19], $0x4000  }
0x52: {  	[sflag:s19] =	ssyncset.done $0x0  }
0x53: {  	s31 =	simm.s32 $0x2800;
	[sflag:s19] =	ssyncadd.s32 $0xFFFFC000  }
0x54: {  	[spmem:s1] =	stream.indirect.scatter.add.f32 [tilespmem:s17], [sflag:$0x2], $0x80, s31, s18, $0xb8;
	[tilespmem:$0x1D000] =	vst v63  }
0x55: {  	_ =	swait.ge [sflag:s15], $0x4000  }
0x56: {  	s23 =	simm.s32 $0x200;
	s24 =	simm.s32 $0x400;
	[sflag:s15] =	ssyncset.done $0x0  }
.LBB2_8:
0x57: {  	s25 =	sshra.s32 s23, $0x2  }
0x58: {  	[sflag:s15] =	ssyncadd.s32 $0xFFFFC000;
	s23 =	smov.u32 s24;
	s26 =	sadd.s32 $0x200, s24  }
0x59: {  	[tilespmem:s17], [sflag:$0x1] =	stream.indirect.gather [hbm4b:s5+s18], $0x80, s25, s18, $0xb8;
	[tilespmem:$0x1D000] =	vst v63  }
0x5a: {  	p1 =	sne.s32 s24, $0x9C00;
	_ =	swait.ge [sflag:s19], $0x4000  }
.Ltmp4:
0x5b: {  	[sflag:s19] =	ssyncset.done $0x0;
	(pc) =	sbr.rel @p1 .LBB2_8-.Ltmp4, $4  }
0x5c: {  	s24 =	sadd.s32 $0x2800, s25;
	[sflag:s19] =	ssyncadd.s32 $0xFFFFC000  }
0x5d: {  	[spmem:s1] =	stream.indirect.scatter.add.f32 [tilespmem:s17], [sflag:$0x2], $0x80, s24, s18, $0xb8;
	[tilespmem:$0x1D000] =	vst v63  }
0x5e: {  	_ =	swait.ge [sflag:s15], $0x4000  }
0x5f: {  	s24 =	smov.u32 s26;
	[sflag:s15] =	ssyncset.done $0x0  }
0x60: {  	s23 =	sshra.s32 s23, $0x2;
	[sflag:s15] =	ssyncadd.s32 $0xFFFFC000  }
0x61: {  	[tilespmem:s17], [sflag:$0x1] =	stream.indirect.gather [hbm4b:s5+s18], $0x80, s23, s18, $0xb8;
	[tilespmem:$0x1D000] =	vst v63  }
0x62: {  	_ =	swait.ge [sflag:s19], $0x4000  }
0x63: {  	[sflag:s19] =	ssyncset.done $0x0  }
.Ltmp5:
0x64: {  	s23 =	sadd.s32 $0x2800, s23;
	[sflag:s19] =	ssyncadd.s32 $0xFFFFC000;
	(pc) =	sbr.rel .LBB2_10-.Ltmp5, $4  }
0x65: {  	[spmem:s1] =	stream.indirect.scatter.add.f32 [tilespmem:s17], [sflag:$0x2], $0x80, s23, s18, $0xb8;
	[tilespmem:$0x1D000] =	vst v63  }
0x66: {  	_ =	swait.ge [sflag:s15], $0x4000  }
0x67: {  	[sflag:s15] =	ssyncset.done $0x0  }
0x68: {  	[sflag:s15] =	ssyncadd.s32 $0xFFFFC000  }
.LBB2_4:
0x69: {  	[tilespmem:s17], [sflag:$0x1] =	stream.indirect.gather [hbm4b:s4+s18], $0x80, s23, s18, $0xb8;
	[tilespmem:$0x1D000] =	vst v63  }
0x6a: {  	_ =	swait.ge [sflag:s19], $0x4000  }
0x6b: {  	[sflag:s19] =	ssyncset.done $0x0  }
0x6c: {  	s31 =	simm.s32 $0x2800;
	[sflag:s19] =	ssyncadd.s32 $0xFFFFC000  }
0x6d: {  	[spmem:s1] =	stream.indirect.scatter.add.f32 [tilespmem:s17], [sflag:$0x2], $0x80, s31, s18, $0xb8;
	[tilespmem:$0x1D000] =	vst v63  }
0x6e: {  	_ =	swait.ge [sflag:s15], $0x4000  }
0x6f: {  	s23 =	simm.s32 $0x200;
	s24 =	simm.s32 $0x400;
	[sflag:s15] =	ssyncset.done $0x0  }
.LBB2_5:
0x70: {  	s25 =	sshra.s32 s23, $0x2  }
0x71: {  	[sflag:s15] =	ssyncadd.s32 $0xFFFFC000;
	s23 =	smov.u32 s24;
	s26 =	sadd.s32 $0x200, s24  }
0x72: {  	[tilespmem:s17], [sflag:$0x1] =	stream.indirect.gather [hbm4b:s4+s18], $0x80, s25, s18, $0xb8;
	[tilespmem:$0x1D000] =	vst v63  }
0x73: {  	p1 =	seq.s32 s24, $0x9C00;
	_ =	swait.ge [sflag:s19], $0x4000  }
.Ltmp6:
0x74: {  	[sflag:s19] =	ssyncset.done $0x0;
	(pc) =	sbr.rel @!p1 .LBB2_5-.Ltmp6, $4  }
0x75: {  	s24 =	sadd.s32 $0x2800, s25;
	[sflag:s19] =	ssyncadd.s32 $0xFFFFC000  }
0x76: {  	[spmem:s1] =	stream.indirect.scatter.add.f32 [tilespmem:s17], [sflag:$0x2], $0x80, s24, s18, $0xb8;
	[tilespmem:$0x1D000] =	vst v63  }
0x77: {  	_ =	swait.ge [sflag:s15], $0x4000  }
0x78: {  	s24 =	smov.u32 s26;
	[sflag:s15] =	ssyncset.done $0x0  }
.Ltmp7:
0x79: {  	_ = 	snop;
	(pc) =	sbr.rel .LBB2_6-.Ltmp7, $1  }
0x7a: {  	_ =	sdelay $0x3  }
.LBB2_11:
0x7b: {  	_ =	sfence.sel $0x180000  }
0x7c: {  	[bflag:$0x0] =	sbarrier.arrive $0xFFFF  }
0x7d: {  	p0 =	sne.s32 s2, $0x0;
	_ =	strace $0x9000004A  }
0x7e: {  	s0 =	sadd.s32 @!p0 $0x100000, s0;
	[bflag:$0x2] =	sbarrier.arrive $0xFFFF  }
0x7f: {  	[sflag:s0] =	ssyncadd.tile.s32 @!p0 $0x1;
	_ =	shalt  }
.Lfunc_end2:
_tile_overlayer_lowered:
.L_overlay_start_2:
0x80: {  	(tag) =	ssettag $0x2  }
0x81: {  	s0 =	rddreg [dreg:$0x0];
	s2 =	stileid.u32  }
0x82: {  	s1 =	rddreg [dreg:$0x1];
	p0 =	sne.s32 s2, $0x0  }
0x83: {  	s3 =	rddreg [dreg:$0x2];
	[bflag:$0x3] =	sbarrier.arrive $0xFFFF;
	s2 =	simm.s32 @!p0 $0x1C02  }
0x84: {  	[timem:s3], [sflag:s2] =	dma.local @!p0 [hbm:s0], s1  }
0x85: {  	s0 =	simm.s32 @!p0 $0x2  }
0x86: {  	_ =	swait.ge @!p0 [sflag:s0], s1  }
0x87: {  	s1 =	ssub.s32 @!p0 $0x0, s1;
	[sflag:s0] =	ssyncset.done @!p0 $0x0  }
0x88: {  	[sflag:s0] =	ssyncadd.s32 @!p0 s1  }
0x89: {  	[bflag:$0x3] =	sbarrier.arrive $0xFFFF  }
0x8a: {  	_ =	shalt  }

// kernel: kernel.14.cloned.1.call-start
scs
__scs_entry_jumppad:
0x0: {  	(pc) =	sbr.rel $0x88, $3  }
0x1: {  	(tag) =	ssettag $0x0;
	lr =	simm.s32 $0x1  }
0x2: {  	[smem:$0x3F9B] =	sst lr;
	_ =	strace $0xD0000000  }
0x3: {  	_ = 	snop  }
0x4: {  	_ = 	snop  }
0x5: {  	_ = 	snop  }
0x6: {  	_ = 	snop  }
0x7: {  	_ = 	snop  }
__scs_overlays_trampoline_lowered:
0x8: {  	[smem:$0x3FAA] =	sst s0  }
0x9: {  	[smem:$0x3FAB] =	sst s1  }
0xa: {  	[smem:$0x3FAC] =	sst s2  }
0xb: {  	[smem:$0x3FAD] =	sst s3  }
0xc: {  	[smem:$0x3FAE] =	sst s4  }
0xd: {  	[smem:$0x3FAF] =	sst s5  }
0xe: {  	[smem:$0x3FB0] =	sst s6  }
0xf: {  	[smem:$0x3FB1] =	sst s7  }
0x10: {  	[smem:$0x3FB2] =	sst s8  }
0x11: {  	[smem:$0x3FB3] =	sst s9;
	s0 =	simm.s32 @!p0 $0x0  }
0x12: {  	s1 =	sld [smem:$0x3F99];
	s0 =	simm.s32 @p0 $0x1  }
0x13: {  	[smem:$0x3FB4] =	sst s0;
	s0 =	simm.s32 @!p1 $0x0  }
0x14: {  	s2 =	sld [smem:$0x3F98];
	s0 =	simm.s32 @p1 $0x1  }
0x15: {  	[smem:$0x3FB5] =	sst s0;
	s0 =	simm.s32 @!p2 $0x0  }
0x16: {  	s3 =	sld [smem:$0x3FDB];
	s0 =	simm.s32 @p2 $0x1  }
0x17: {  	s4 =	simm.s32 $0x1BF5;
	[smem:$0x3FB7] =	sst s0  }
0x18: {  	s0 =	sld [smem:$0x3F9A];
	_ =	swait.ge [sflag:s4], $0x0  }
0x19: {  	s7 =	sld [smem:$0x3F9B]  }
0x1a: {  	s8 =	sadd.s32 $0xFFFFE003, lr  }
0x1b: {  	s9 =	sadd.s32 $0xFFFFFEF7, lr;
	s5 =	simm.s32 $0xFFFFFFFF;
	p2 =	slt.u32 s8, $0xFFFFF086  }
0x1c: {  	p1 =	slt.u32 s9, $0xF7A;
	s5 =	simm.s32 @!p2 $0x0  }
0x1d: {  	s5 =	simm.s32 @p1 $0x1;
	p0 =	seq.s32 s7, s2  }
0x1e: {  	s7 =	smul.u32 @!p0 $0xF7A, s2;
	p2 =	seq.s32 @!p0 s5, $0x0  }
0x1f: {  	s9 =	smul.u32 $0xF7A, s1;
	s8 =	simm.s32 @!p0 $0x1BF5;
	p2 =	por !p2, p0  }
0x20: {  	[sflag:s8] =	ssyncset.s32 @!p0 $0xFFFFF086;
	s6 =	sadd.s32 @!p0 s3, s7;
	s7 =	simm.s32 @!p0 $0x108  }
0x21: {  	s3 =	sadd.s32 s3, s9;
	s6 =	sadd.s32 @!p0 $0x88, s6;
	s7 =	simm.s32 @p2 $0x1082  }
0x22: {  	[simem:s7], [sflag:s8] =	dma.local @!p0 [hbm:s6], $0xF7A  }
0x23: {  	s9 =	sor.u32 $0xD0000000, s2;
	s6 =	simm.s32 $0x108;
	_ =	swait.ge @!p0 [sflag:s8], $0x0  }
0x24: {  	s3 =	sadd.s32 $0x88, s3;
	s6 =	simm.s32 @!p1 $0x1082;
	[sflag:s4] =	ssyncset.s32 $0xFFFFF086  }
0x25: {  	[simem:s6], [sflag:s4] =	dma.local [hbm:s3], $0xF7A  }
0x26: {  	[smem:$0x3F9B] =	sst s1;
	(tag) =	ssettag s2;
	_ =	strace s9  }
0x27: {  	s1 =	sld [smem:$0x3FAB]  }
0x28: {  	s2 =	sld [smem:$0x3FAC]  }
0x29: {  	s4 =	sld [smem:$0x3FAE]  }
0x2a: {  	p0 =	seq.s32 s5, $0x0;
	s5 =	sld [smem:$0x3FAF]  }
0x2b: {  	s6 =	sld [smem:$0x3FB0]  }
0x2c: {  	s7 =	sld [smem:$0x3FB1]  }
0x2d: {  	s3 =	simm.s32 $0x108;
	s8 =	sld [smem:$0x3FB2]  }
0x2e: {  	s3 =	simm.s32 @!p0 $0x1082;
	s9 =	sld [smem:$0x3FB3]  }
0x2f: {  	lr =	sadd.s32 s0, s3;
	s0 =	sld [smem:$0x3FAA]  }
0x30: {  	s3 =	sld [smem:$0x3FAD]  }
0x31: {  	[smem:$0x3FB6] =	sst s10  }
0x32: {  	s10 =	sld [smem:$0x3FB4];
	_ =	sdelay $0x3  }
0x33: {  	p0 =	seq.s32 s10, $0x1;
	s10 =	sld [smem:$0x3FB6];
	_ =	sdelay $0x3  }
0x34: {  	[smem:$0x3FB6] =	sst s10  }
0x35: {  	s10 =	sld [smem:$0x3FB5];
	_ =	sdelay $0x3  }
0x36: {  	p1 =	seq.s32 s10, $0x1;
	s10 =	sld [smem:$0x3FB6];
	_ =	sdelay $0x3  }
0x37: {  	[smem:$0x3FB6] =	sst s10  }
0x38: {  	s10 =	sld [smem:$0x3FB7]  }
0x39: {  	_ = 	snop;
	(pc) =	sbr.ind lr, $3  }
0x3a: {  	_ = 	snop  }
0x3b: {  	_ = 	snop  }
0x3c: {  	p2 =	seq.s32 s10, $0x1;
	s10 =	sld [smem:$0x3FB6]  }
0x3d: {  	_ =	shalt  }
0x3e: {  	_ =	shalt  }
0x3f: {  	_ =	shalt  }
0x40: {  	_ =	shalt  }
0x41: {  	_ =	shalt  }
0x42: {  	_ =	shalt  }
0x43: {  	_ =	shalt  }
0x44: {  	_ =	shalt  }
0x45: {  	_ =	shalt  }
0x46: {  	_ =	shalt  }
0x47: {  	_ =	shalt  }
0x48: {  	_ =	shalt  }
0x49: {  	_ =	shalt  }
0x4a: {  	_ =	shalt  }
0x4b: {  	_ =	shalt  }
0x4c: {  	_ =	shalt  }
0x4d: {  	_ =	shalt  }
0x4e: {  	_ =	shalt  }
0x4f: {  	_ =	shalt  }
0x50: {  	_ =	shalt  }
0x51: {  	_ =	shalt  }
0x52: {  	_ =	shalt  }
0x53: {  	_ =	shalt  }
0x54: {  	_ =	shalt  }
0x55: {  	_ =	shalt  }
0x56: {  	_ =	shalt  }
0x57: {  	_ =	shalt  }
0x58: {  	_ =	shalt  }
0x59: {  	_ =	shalt  }
0x5a: {  	_ =	shalt  }
0x5b: {  	_ =	shalt  }
0x5c: {  	_ =	shalt  }
0x5d: {  	_ =	shalt  }
0x5e: {  	_ =	shalt  }
0x5f: {  	_ =	shalt  }
0x60: {  	_ =	shalt  }
0x61: {  	_ =	shalt  }
0x62: {  	_ =	shalt  }
0x63: {  	_ =	shalt  }
0x64: {  	_ =	shalt  }
0x65: {  	_ =	shalt  }
0x66: {  	_ =	shalt  }
0x67: {  	_ =	shalt  }
0x68: {  	_ =	shalt  }
0x69: {  	_ =	shalt  }
0x6a: {  	_ =	shalt  }
0x6b: {  	_ =	shalt  }
0x6c: {  	_ =	shalt  }
0x6d: {  	_ =	shalt  }
0x6e: {  	_ =	shalt  }
0x6f: {  	_ =	shalt  }
0x70: {  	_ =	shalt  }
0x71: {  	_ =	shalt  }
0x72: {  	_ =	shalt  }
0x73: {  	_ =	shalt  }
0x74: {  	_ =	shalt  }
0x75: {  	_ =	shalt  }
0x76: {  	_ =	shalt  }
0x77: {  	_ =	shalt  }
0x78: {  	_ =	shalt  }
0x79: {  	_ =	shalt  }
0x7a: {  	_ =	shalt  }
0x7b: {  	_ =	shalt  }
0x7c: {  	_ =	shalt  }
0x7d: {  	_ =	shalt  }
0x7e: {  	_ =	shalt  }
0x7f: {  	_ =	shalt  }
0x80: {  	_ =	shalt  }
0x81: {  	_ =	shalt  }
0x82: {  	_ =	shalt  }
0x83: {  	_ =	shalt  }
0x84: {  	_ =	shalt  }
0x85: {  	_ =	shalt  }
0x86: {  	_ =	shalt  }
0x87: {  	_ =	shalt  }
.Lfunc_end0:
.L_simem_size_0:
called_computation.2_lowered:
.L_overlay_start_0:
0x88: {  	s2 =	sld [smem:$0x3FD9]  }
0x89: {  	s3 =	sld [smem:$0x3FFE];
	_ =	sdelay $0x1  }
0x8a: {  	s1 =	srdreg.scid  }
0x8b: {  	s0 =	sand.u32 $0x1, s1  }
0x8c: {  	s17 =	sshll.u32 s0, $0xA;
	s2 =	sadd.s32 s3, s2  }
0x8d: {  	s2 =	sadd.s32 s2, s17  }
0x8e: {  	[smem:$0x3FC2] =	sst s2  }
0x8f: {  	_ = 	snop  }
0x90: {  	s2 =	sld [smem:$0x3FD0];
	(tm) =	ssettm $0x1  }
0x91: {  	s18 =	sld [smem:$0x3FFB];
	_ =	sdelay $0x3  }
0x92: {  	_ =	strace s18  }
0x93: {  	s3 =	sld [smem:$0x3FFC];
	_ =	sdelay $0x3  }
0x94: {  	_ =	strace s3  }
0x95: {  	s3 =	sld [smem:$0x3FFD];
	_ =	sdelay $0x3  }
0x96: {  	_ =	strace s3  }
0x97: {  	_ =	strace $0x8FFFFFFF  }
0x98: {  	s19 =	sld [smem:$0x3FDB];
	_ =	sdelay $0x1  }
0x99: {  	s4 =	simm.s32 $_scs_section_size  }
0x9a: {  	s5 =	simm.s32 $_size__tile_overlayer_lowered;
	s6 =	simm.s32 $_tile_overlayer_lowered  }
0x9b: {  	s22 =	simm.s32 $0x1BFF;
	s21 =	sshll.u32 s6, $0x1;
	s3 =	sadd.s32 s4, s19  }
0x9c: {  	s7 =	simm.s32 $0x0;
	s20 =	sshll.u32 s5, $0x1;
	s5 =	sadd.s32 s21, s3  }
0x9d: {  	[timem:s7], [sflag:s22] =	dma.local [hbm:s5], s20  }
0x9e: {  	_ =	swait.ge [sflag:s22], s20  }
0x9f: {  	s4 =	ssub.s32 $0x0, s20;
	[sflag:s22] =	ssyncset.done $0x0  }
0xa0: {  	[sflag:s22] =	ssyncadd.s32 s4;
	_ =	sdelay $0x1  }
0xa1: {  	s23 =	simm.s32 $0x1B8B  }
0xa2: {  	_ =	swait.ge [sflag:s23], $0x1  }
0xa3: {  	[sflag:s23] =	ssyncset.done $0x0  }
0xa4: {  	s25 =	simm.s32 $0x1B8E;
	s24 =	sld [smem:$0x3FFE];
	[sflag:s23] =	ssyncadd.s32 $0xFFFFFFFF  }
0xa5: {  	s26 =	simm.s32 $execute0_lowered;
	[smem:$0x3FD2] =	sst s25  }
0xa6: {  	s5 =	sshll.u32 s26, $0x1;
	_ =	strace $0x8000004C;
	[dreg:$0x1] =	wrdreg $0xFFFFFFFF  }
0xa7: {  	s28 =	simm.s32 $_size_execute0_lowered;
	s3 =	sadd.s32 s3, s5;
	[dreg:$0x0] =	wrdreg $0x0  }
0xa8: {  	s5 =	sshll.u32 s28, $0x1;
	[dreg:$0x2] =	wrdreg s3  }
0xa9: {  	[dreg:$0x3] =	wrdreg s5  }
0xaa: {  	[dreg:$0x4] =	wrdreg $0xC0  }
0xab: {  	_ =	task [dreg:s7], $0x5FFFF  }
0xac: {  	[dreg:$0x1] =	wrdreg $0xFFFFFFFF  }
0xad: {  	[dreg:$0x0] =	wrdreg $0x60  }
0xae: {  	[dreg:$0x2] =	wrdreg s24  }
0xaf: {  	[dreg:$0x3] =	wrdreg s2  }
0xb0: {  	[dreg:$0x4] =	wrdreg $0x90000  }
0xb1: {  	[dreg:$0x5] =	wrdreg $0x9  }
0xb2: {  	_ =	task.clear_ibuf [dreg:s7], $0x6FFFF;
	_ =	strace $0x9000004C  }
0xb3: {  	s29 =	simm.s32 $0x9;
	_ =	strace $0x8000004E  }
0xb4: {  	_ =	swait.ge [sflag:s29], $0x1  }
0xb5: {  	[sflag:s29] =	ssyncadd.s32 $0xFFFFFFFF  }
0xb6: {  	_ =	strace $0x9000004E  }
0xb7: {  	_ =	sfence  }
0xb8: {  	s30 =	sld [smem:$0x0];
	_ =	sdelay $0x2  }
0xb9: {  	s31 =	sshll.u32 s1, $0xD;
	s1 =	sshrl.u32 s1, $0x2  }
0xba: {  	s3 =	sand.u32 $0x4000, s31;
	s1 =	sadd.s32 s1, s30  }
0xbb: {  	s0 =	sor.u32 s3, s0;
	s1 =	sshll.u32 s1, $0x11  }
0xbc: {  	s0 =	sor.u32 s1, s0  }
0xbd: {  	s0 =	sadd.s32 $0x8F2B, s0  }
0xbe: {  	[sflag:s0] =	ssyncadd.remote.s32 $0x1  }
0xbf: {  	_ =	sfence.sel $0xFFFF  }
0xc0: {  	[dreg:$0x0] =	wrdreg $0xFFFFFFFF;
	(pc) =	sbr.abs _section_cstart, $3  }
0xc1: {  	[dreg:$0x1] =	wrdreg $0xFFFFFFFF  }
0xc2: {  	_ =	task.clear_ibuf [dreg:s7], $0x2FFFF;
	_ =	strace $0x9FFFFFFF  }
0xc3: {  	(tm) =	ssettm $0x7FFFFFFF  }
tec
execute0_lowered:
.L_overlay_start_1:
0x0: {  	(tag) =	ssettag $0x1  }
0x1: {  	s6 =	rddreg [dreg:$0x0]  }
0x2: {  	s7 =	rddreg [dreg:$0x1]  }
0x3: {  	s1 =	rddreg [dreg:$0x2]  }
0x4: {  	s0 =	rddreg [dreg:$0x3];
	s3 =	simm.s32 $0x0;
	s4 =	srdreg.scid  }
0x5: {  	s2 =	stileid.u32;
	s15 =	simm.s32 $0x2;
	s16 =	simm.s32 $0x2800  }
0x6: {  	s17 =	simm.s32 $0x5000;
	s18 =	simm.s32 $0x80;
	s19 =	simm.s32 $0x1  }
0x7: {  	s22 =	simm.s32 $0x0;
	[smem:$0x7FF] =	sst s3;
	s9 =	sand.u32 $0x1, s4  }
0x8: {  	s28 =	sshll.u32 s2, $0x1;
	s8 =	smul.u32 $0x2800, s2;
	s4 =	sadd.s32 $0x29C00, s6  }
0x9: {  	s5 =	sadd.s32 $0x83C00, s6;
	s12 =	smul.u32 $0x50000, s2;
	s20 =	sshll.u32 s2, $0x6  }
0xa: {  	_ =	strace $0x8000004D;
	s10 =	sor.u32 s9, s28;
	s11 =	smul.u32 $0x28000, s9  }
0xb: {  	s29 =	ssub.s32 $0x2, s9;
	p0 =	seq.s32 s9, $0x1;
	s20 =	sor.u32 $0x1C02, s20  }
0xc: {  	s10 =	smul.u32 $0x500, s10;
	s30 =	sshrl.u32 s29, $0x1;
	s31 =	sshrl.u32 s12, $0x2  }
.Ltmp0:
0xd: {  	s8 =	sadd.s32 s8, s11;
	s11 =	ssub.s32 s29, s30;
	(pc) =	sbr.rel .LBB2_1-.Ltmp0, $4  }
0xe: {  	s13 =	sadd.s32 s10, s6;
	s14 =	sadd.s32 s8, s6;
	s7 =	sadd.s32 s7, s10  }
0xf: {  	s8 =	sadd.s32 s31, s1;
	s10 =	smax.u32 s11, $0x1;
	s6 =	sadd.s32 $0x52A00, s13  }
0x10: {  	s9 =	sadd.s32 $0xAAE00, s14;
	s11 =	sadd.s32 $0x4000, s8;
	s12 =	sadd.s32 $0x8000, s8  }
0x11: {  	v0 =	vimm.f32 $0.0e+00;
	s13 =	sadd.s32 $0xC000, s8;
	s14 =	sadd.s32 $0x10000, s8;
	s21 =	sshrl.u32 s8, $0x3  }
.LBB2_6:
0x12: {  	s23 =	sshra.s32 s23, $0x2;
	[sflag:s15] =	ssyncadd.s32 $0xFFFFC000  }
0x13: {  	[tilespmem:s17], [sflag:$0x1] =	stream.indirect.gather [hbm4b:s4+s18], $0x80, s23, s18, $0xb8;
	[tilespmem:$0x1D000] =	vst v63  }
0x14: {  	_ =	swait.ge [sflag:s19], $0x4000  }
0x15: {  	[sflag:s19] =	ssyncset.done $0x0  }
0x16: {  	s23 =	sadd.s32 $0x2800, s23;
	[sflag:s19] =	ssyncadd.s32 $0xFFFFC000  }
0x17: {  	[spmem:s1] =	stream.indirect.scatter.add.f32 [tilespmem:s17], [sflag:$0x2], $0x80, s23, s18, $0xb8;
	[tilespmem:$0x1D000] =	vst v63  }
0x18: {  	_ =	swait.ge [sflag:s15], $0x4000  }
0x19: {  	[sflag:s15] =	ssyncset.done $0x0  }
0x1a: {  	[sflag:s15] =	ssyncadd.s32 $0xFFFFC000  }
.LBB2_10:
0x1b: {  	s22 =	sadd.s32 $0x1, s22  }
0x1c: {  	p1 =	sne.s32 s22, s10  }
.Ltmp1:
0x1d: {  	[bflag:$0x0] =	sbarrier.arrive $0xFFFF;
	(pc) =	sbr.rel @!p1 .LBB2_11-.Ltmp1, $4  }
0x1e: {  	[hbm:s9], [sflag:s20] =	dma.local [spmem:s21], $0x2800  }
0x1f: {  	_ =	swait.ge [sflag:s15], $0x2800  }
0x20: {  	[sflag:s15] =	ssyncset.done $0x0  }
0x21: {  	[sflag:s15] =	ssyncadd.s32 $0xFFFFD800  }
.LBB2_1:
0x22: {  	[tilespmem:s3], [sflag:$0x2] =	stream.linear.gather [hbm4b:s6+s3], $0x2780, $0x38;
	[tilespmem:$0x1D000] =	vst v63  }
0x23: {  	_ =	swait.ge [sflag:s15], $0x2780  }
0x24: {  	[sflag:s15] =	ssyncset.done $0x0  }
0x25: {  	[sflag:s15] =	ssyncadd.s32 $0xFFFFD880  }
0x26: {  	[tilespmem:s16], [sflag:$0x2] =	stream.linear.gather [hbm4b:s7+s3], $0x2780, $0x38;
	[tilespmem:$0x1D000] =	vst v63  }
0x27: {  	_ =	swait.ge [sflag:s15], $0x2780  }
0x28: {  	[sflag:s15] =	ssyncset.done $0x0  }
0x29: {  	s23 =	simm.s32 $0x0;
	s24 =	simm.s32 $0x200;
	[sflag:s15] =	ssyncadd.s32 $0xFFFFD880  }
.LBB2_2:
0x2a: {  	p1 =	sne.s32 s24, $0xFE00;
	[tilespmem:s23+$0x5070] =	vst v0  }
0x2b: {  	[tilespmem:s23+$0x5000] =	vst v0  }
0x2c: {  	[tilespmem:s23+$0x5010] =	vst v0  }
.Ltmp2:
0x2d: {  	[tilespmem:s23+$0x5020] =	vst v0;
	(pc) =	sbr.rel @p1 .LBB2_2-.Ltmp2, $4  }
0x2e: {  	[tilespmem:s23+$0x5030] =	vst v0  }
0x2f: {  	[tilespmem:s23+$0x5040] =	vst v0  }
0x30: {  	[tilespmem:s23+$0x5050] =	vst v0  }
0x31: {  	[tilespmem:s23+$0x5060] =	vst v0;
	s23 =	sshra.s32 s24, $0x2;
	s24 =	sadd.s32 $0x200, s24  }
0x32: {  	[tilespmem:s23+$0x5070] =	vst v0  }
0x33: {  	[tilespmem:s23+$0x5000] =	vst v0  }
0x34: {  	[tilespmem:s23+$0x5010] =	vst v0  }
0x35: {  	[tilespmem:s23+$0x5020] =	vst v0  }
0x36: {  	[tilespmem:s23+$0x5030] =	vst v0  }
0x37: {  	[tilespmem:s23+$0x5040] =	vst v0  }
0x38: {  	[tilespmem:s23+$0x5050] =	vst v0  }
0x39: {  	[tilespmem:s23+$0x5060] =	vst v0  }
0x3a: {  	[spmem:s8] =	stream.linear.scatter [tilespmem:s17], [sflag:$0x2], $0x4000, $0x38;
	[tilespmem:$0x1D000] =	vst v63  }
0x3b: {  	_ =	swait.ge [sflag:s15], $0x4000  }
0x3c: {  	[sflag:s15] =	ssyncset.done $0x0  }
0x3d: {  	[sflag:s15] =	ssyncadd.s32 $0xFFFFC000  }
0x3e: {  	[spmem:s11] =	stream.linear.scatter [tilespmem:s17], [sflag:$0x2], $0x4000, $0x38;
	[tilespmem:$0x1D000] =	vst v63  }
0x3f: {  	_ =	swait.ge [sflag:s15], $0x4000  }
0x40: {  	[sflag:s15] =	ssyncset.done $0x0  }
0x41: {  	[sflag:s15] =	ssyncadd.s32 $0xFFFFC000  }
0x42: {  	[spmem:s12] =	stream.linear.scatter [tilespmem:s17], [sflag:$0x2], $0x4000, $0x38;
	[tilespmem:$0x1D000] =	vst v63  }
0x43: {  	_ =	swait.ge [sflag:s15], $0x4000  }
0x44: {  	[sflag:s15] =	ssyncset.done $0x0  }
0x45: {  	[sflag:s15] =	ssyncadd.s32 $0xFFFFC000  }
0x46: {  	[spmem:s13] =	stream.linear.scatter [tilespmem:s17], [sflag:$0x2], $0x4000, $0x38;
	[tilespmem:$0x1D000] =	vst v63  }
0x47: {  	_ =	swait.ge [sflag:s15], $0x4000  }
0x48: {  	[sflag:s15] =	ssyncset.done $0x0  }
0x49: {  	[sflag:s15] =	ssyncadd.s32 $0xFFFFC000  }
0x4a: {  	[spmem:s14] =	stream.linear.scatter [tilespmem:s17], [sflag:$0x2], $0x4000, $0x38;
	[tilespmem:$0x1D000] =	vst v63  }
.Ltmp3:
0x4b: {  	_ =	swait.ge [sflag:s15], $0x4000;
	(pc) =	sbr.rel @!p0 .LBB2_4-.Ltmp3, $4  }
0x4c: {  	[sflag:s15] =	ssyncset.done $0x0  }
0x4d: {  	[sflag:s15] =	ssyncadd.s32 $0xFFFFC000  }
0x4e: {  	[bflag:$0x0] =	sbarrier.arrive $0xFFFF  }
0x4f: {  	s23 =	simm.s32 $0x0  }
0x50: {  	[tilespmem:s17], [sflag:$0x1] =	stream.indirect.gather [hbm4b:s5+s18], $0x80, s23, s18, $0xb8;
	[tilespmem:$0x1D000] =	vst v63  }
0x51: {  	_ =	swait.ge [sflag:s19], $0x4000  }
0x52: {  	[sflag:s19] =	ssyncset.done $0x0  }
0x53: {  	s31 =	simm.s32 $0x2800;
	[sflag:s19] =	ssyncadd.s32 $0xFFFFC000  }
0x54: {  	[spmem:s1] =	stream.indirect.scatter.add.f32 [tilespmem:s17], [sflag:$0x2], $0x80, s31, s18, $0xb8;
	[tilespmem:$0x1D000] =	vst v63  }
0x55: {  	_ =	swait.ge [sflag:s15], $0x4000  }
0x56: {  	s23 =	simm.s32 $0x200;
	s24 =	simm.s32 $0x400;
	[sflag:s15] =	ssyncset.done $0x0  }
.LBB2_8:
0x57: {  	s25 =	sshra.s32 s23, $0x2  }
0x58: {  	[sflag:s15] =	ssyncadd.s32 $0xFFFFC000;
	s23 =	smov.u32 s24;
	s26 =	sadd.s32 $0x200, s24  }
0x59: {  	[tilespmem:s17], [sflag:$0x1] =	stream.indirect.gather [hbm4b:s5+s18], $0x80, s25, s18, $0xb8;
	[tilespmem:$0x1D000] =	vst v63  }
0x5a: {  	p1 =	sne.s32 s24, $0x9C00;
	_ =	swait.ge [sflag:s19], $0x4000  }
.Ltmp4:
0x5b: {  	[sflag:s19] =	ssyncset.done $0x0;
	(pc) =	sbr.rel @p1 .LBB2_8-.Ltmp4, $4  }
0x5c: {  	s24 =	sadd.s32 $0x2800, s25;
	[sflag:s19] =	ssyncadd.s32 $0xFFFFC000  }
0x5d: {  	[spmem:s1] =	stream.indirect.scatter.add.f32 [tilespmem:s17], [sflag:$0x2], $0x80, s24, s18, $0xb8;
	[tilespmem:$0x1D000] =	vst v63  }
0x5e: {  	_ =	swait.ge [sflag:s15], $0x4000  }
0x5f: {  	s24 =	smov.u32 s26;
	[sflag:s15] =	ssyncset.done $0x0  }
0x60: {  	s23 =	sshra.s32 s23, $0x2;
	[sflag:s15] =	ssyncadd.s32 $0xFFFFC000  }
0x61: {  	[tilespmem:s17], [sflag:$0x1] =	stream.indirect.gather [hbm4b:s5+s18], $0x80, s23, s18, $0xb8;
	[tilespmem:$0x1D000] =	vst v63  }
0x62: {  	_ =	swait.ge [sflag:s19], $0x4000  }
0x63: {  	[sflag:s19] =	ssyncset.done $0x0  }
.Ltmp5:
0x64: {  	s23 =	sadd.s32 $0x2800, s23;
	[sflag:s19] =	ssyncadd.s32 $0xFFFFC000;
	(pc) =	sbr.rel .LBB2_10-.Ltmp5, $4  }
0x65: {  	[spmem:s1] =	stream.indirect.scatter.add.f32 [tilespmem:s17], [sflag:$0x2], $0x80, s23, s18, $0xb8;
	[tilespmem:$0x1D000] =	vst v63  }
0x66: {  	_ =	swait.ge [sflag:s15], $0x4000  }
0x67: {  	[sflag:s15] =	ssyncset.done $0x0  }
0x68: {  	[sflag:s15] =	ssyncadd.s32 $0xFFFFC000  }
.LBB2_4:
0x69: {  	[tilespmem:s17], [sflag:$0x1] =	stream.indirect.gather [hbm4b:s4+s18], $0x80, s23, s18, $0xb8;
	[tilespmem:$0x1D000] =	vst v63  }
0x6a: {  	_ =	swait.ge [sflag:s19], $0x4000  }
0x6b: {  	[sflag:s19] =	ssyncset.done $0x0  }
0x6c: {  	s31 =	simm.s32 $0x2800;
	[sflag:s19] =	ssyncadd.s32 $0xFFFFC000  }
0x6d: {  	[spmem:s1] =	stream.indirect.scatter.add.f32 [tilespmem:s17], [sflag:$0x2], $0x80, s31, s18, $0xb8;
	[tilespmem:$0x1D000] =	vst v63  }
0x6e: {  	_ =	swait.ge [sflag:s15], $0x4000  }
0x6f: {  	s23 =	simm.s32 $0x200;
	s24 =	simm.s32 $0x400;
	[sflag:s15] =	ssyncset.done $0x0  }
.LBB2_5:
0x70: {  	s25 =	sshra.s32 s23, $0x2  }
0x71: {  	[sflag:s15] =	ssyncadd.s32 $0xFFFFC000;
	s23 =	smov.u32 s24;
	s26 =	sadd.s32 $0x200, s24  }
0x72: {  	[tilespmem:s17], [sflag:$0x1] =	stream.indirect.gather [hbm4b:s4+s18], $0x80, s25, s18, $0xb8;
	[tilespmem:$0x1D000] =	vst v63  }
0x73: {  	p1 =	seq.s32 s24, $0x9C00;
	_ =	swait.ge [sflag:s19], $0x4000  }
.Ltmp6:
0x74: {  	[sflag:s19] =	ssyncset.done $0x0;
	(pc) =	sbr.rel @!p1 .LBB2_5-.Ltmp6, $4  }
0x75: {  	s24 =	sadd.s32 $0x2800, s25;
	[sflag:s19] =	ssyncadd.s32 $0xFFFFC000  }
0x76: {  	[spmem:s1] =	stream.indirect.scatter.add.f32 [tilespmem:s17], [sflag:$0x2], $0x80, s24, s18, $0xb8;
	[tilespmem:$0x1D000] =	vst v63  }
0x77: {  	_ =	swait.ge [sflag:s15], $0x4000  }
0x78: {  	s24 =	smov.u32 s26;
	[sflag:s15] =	ssyncset.done $0x0  }
.Ltmp7:
0x79: {  	_ = 	snop;
	(pc) =	sbr.rel .LBB2_6-.Ltmp7, $1  }
0x7a: {  	_ =	sdelay $0x3  }
.LBB2_11:
0x7b: {  	_ =	sfence.sel $0x180000  }
0x7c: {  	[bflag:$0x0] =	sbarrier.arrive $0xFFFF  }
0x7d: {  	p0 =	sne.s32 s2, $0x0;
	_ =	strace $0x9000004D  }
0x7e: {  	s0 =	sadd.s32 @!p0 $0x100000, s0;
	[bflag:$0x2] =	sbarrier.arrive $0xFFFF  }
0x7f: {  	[sflag:s0] =	ssyncadd.tile.s32 @!p0 $0x1;
	_ =	shalt  }
.Lfunc_end2:
_tile_overlayer_lowered:
.L_overlay_start_2:
0x80: {  	(tag) =	ssettag $0x2  }
0x81: {  	s0 =	rddreg [dreg:$0x0];
	s2 =	stileid.u32  }
0x82: {  	s1 =	rddreg [dreg:$0x1];
	p0 =	sne.s32 s2, $0x0  }
0x83: {  	s3 =	rddreg [dreg:$0x2];
	[bflag:$0x3] =	sbarrier.arrive $0xFFFF;
	s2 =	simm.s32 @!p0 $0x1C02  }
0x84: {  	[timem:s3], [sflag:s2] =	dma.local @!p0 [hbm:s0], s1  }
0x85: {  	s0 =	simm.s32 @!p0 $0x2  }
0x86: {  	_ =	swait.ge @!p0 [sflag:s0], s1  }
0x87: {  	s1 =	ssub.s32 @!p0 $0x0, s1;
	[sflag:s0] =	ssyncset.done @!p0 $0x0  }
0x88: {  	[sflag:s0] =	ssyncadd.s32 @!p0 s1  }
0x89: {  	[bflag:$0x3] =	sbarrier.arrive $0xFFFF  }
0x8a: {  	_ =	shalt  }

// kernel: kernel.8.cloned.1.call-start
scs
__scs_entry_jumppad:
0x0: {  	(pc) =	sbr.rel $0x88, $3  }
0x1: {  	(tag) =	ssettag $0x0;
	lr =	simm.s32 $0x1  }
0x2: {  	[smem:$0x3F9B] =	sst lr;
	_ =	strace $0xD0000000  }
0x3: {  	_ = 	snop  }
0x4: {  	_ = 	snop  }
0x5: {  	_ = 	snop  }
0x6: {  	_ = 	snop  }
0x7: {  	_ = 	snop  }
__scs_overlays_trampoline_lowered:
0x8: {  	[smem:$0x3FAA] =	sst s0  }
0x9: {  	[smem:$0x3FAB] =	sst s1  }
0xa: {  	[smem:$0x3FAC] =	sst s2  }
0xb: {  	[smem:$0x3FAD] =	sst s3  }
0xc: {  	[smem:$0x3FAE] =	sst s4  }
0xd: {  	[smem:$0x3FAF] =	sst s5  }
0xe: {  	[smem:$0x3FB0] =	sst s6  }
0xf: {  	[smem:$0x3FB1] =	sst s7  }
0x10: {  	[smem:$0x3FB2] =	sst s8  }
0x11: {  	[smem:$0x3FB3] =	sst s9;
	s0 =	simm.s32 @!p0 $0x0  }
0x12: {  	s1 =	sld [smem:$0x3F99];
	s0 =	simm.s32 @p0 $0x1  }
0x13: {  	[smem:$0x3FB4] =	sst s0;
	s0 =	simm.s32 @!p1 $0x0  }
0x14: {  	s2 =	sld [smem:$0x3F98];
	s0 =	simm.s32 @p1 $0x1  }
0x15: {  	[smem:$0x3FB5] =	sst s0;
	s0 =	simm.s32 @!p2 $0x0  }
0x16: {  	s3 =	sld [smem:$0x3FDB];
	s0 =	simm.s32 @p2 $0x1  }
0x17: {  	s4 =	simm.s32 $0x1BF5;
	[smem:$0x3FB7] =	sst s0  }
0x18: {  	s0 =	sld [smem:$0x3F9A];
	_ =	swait.ge [sflag:s4], $0x0  }
0x19: {  	s7 =	sld [smem:$0x3F9B]  }
0x1a: {  	s8 =	sadd.s32 $0xFFFFE003, lr  }
0x1b: {  	s9 =	sadd.s32 $0xFFFFFEF7, lr;
	s5 =	simm.s32 $0xFFFFFFFF;
	p2 =	slt.u32 s8, $0xFFFFF086  }
0x1c: {  	p1 =	slt.u32 s9, $0xF7A;
	s5 =	simm.s32 @!p2 $0x0  }
0x1d: {  	s5 =	simm.s32 @p1 $0x1;
	p0 =	seq.s32 s7, s2  }
0x1e: {  	s7 =	smul.u32 @!p0 $0xF7A, s2;
	p2 =	seq.s32 @!p0 s5, $0x0  }
0x1f: {  	s9 =	smul.u32 $0xF7A, s1;
	s8 =	simm.s32 @!p0 $0x1BF5;
	p2 =	por !p2, p0  }
0x20: {  	[sflag:s8] =	ssyncset.s32 @!p0 $0xFFFFF086;
	s6 =	sadd.s32 @!p0 s3, s7;
	s7 =	simm.s32 @!p0 $0x108  }
0x21: {  	s3 =	sadd.s32 s3, s9;
	s6 =	sadd.s32 @!p0 $0x88, s6;
	s7 =	simm.s32 @p2 $0x1082  }
0x22: {  	[simem:s7], [sflag:s8] =	dma.local @!p0 [hbm:s6], $0xF7A  }
0x23: {  	s9 =	sor.u32 $0xD0000000, s2;
	s6 =	simm.s32 $0x108;
	_ =	swait.ge @!p0 [sflag:s8], $0x0  }
0x24: {  	s3 =	sadd.s32 $0x88, s3;
	s6 =	simm.s32 @!p1 $0x1082;
	[sflag:s4] =	ssyncset.s32 $0xFFFFF086  }
0x25: {  	[simem:s6], [sflag:s4] =	dma.local [hbm:s3], $0xF7A  }
0x26: {  	[smem:$0x3F9B] =	sst s1;
	(tag) =	ssettag s2;
	_ =	strace s9  }
0x27: {  	s1 =	sld [smem:$0x3FAB]  }
0x28: {  	s2 =	sld [smem:$0x3FAC]  }
0x29: {  	s4 =	sld [smem:$0x3FAE]  }
0x2a: {  	p0 =	seq.s32 s5, $0x0;
	s5 =	sld [smem:$0x3FAF]  }
0x2b: {  	s6 =	sld [smem:$0x3FB0]  }
0x2c: {  	s7 =	sld [smem:$0x3FB1]  }
0x2d: {  	s3 =	simm.s32 $0x108;
	s8 =	sld [smem:$0x3FB2]  }
0x2e: {  	s3 =	simm.s32 @!p0 $0x1082;
	s9 =	sld [smem:$0x3FB3]  }
0x2f: {  	lr =	sadd.s32 s0, s3;
	s0 =	sld [smem:$0x3FAA]  }
0x30: {  	s3 =	sld [smem:$0x3FAD]  }
0x31: {  	[smem:$0x3FB6] =	sst s10  }
0x32: {  	s10 =	sld [smem:$0x3FB4];
	_ =	sdelay $0x3  }
0x33: {  	p0 =	seq.s32 s10, $0x1;
	s10 =	sld [smem:$0x3FB6];
	_ =	sdelay $0x3  }
0x34: {  	[smem:$0x3FB6] =	sst s10  }
0x35: {  	s10 =	sld [smem:$0x3FB5];
	_ =	sdelay $0x3  }
0x36: {  	p1 =	seq.s32 s10, $0x1;
	s10 =	sld [smem:$0x3FB6];
	_ =	sdelay $0x3  }
0x37: {  	[smem:$0x3FB6] =	sst s10  }
0x38: {  	s10 =	sld [smem:$0x3FB7]  }
0x39: {  	_ = 	snop;
	(pc) =	sbr.ind lr, $3  }
0x3a: {  	_ = 	snop  }
0x3b: {  	_ = 	snop  }
0x3c: {  	p2 =	seq.s32 s10, $0x1;
	s10 =	sld [smem:$0x3FB6]  }
0x3d: {  	_ =	shalt  }
0x3e: {  	_ =	shalt  }
0x3f: {  	_ =	shalt  }
0x40: {  	_ =	shalt  }
0x41: {  	_ =	shalt  }
0x42: {  	_ =	shalt  }
0x43: {  	_ =	shalt  }
0x44: {  	_ =	shalt  }
0x45: {  	_ =	shalt  }
0x46: {  	_ =	shalt  }
0x47: {  	_ =	shalt  }
0x48: {  	_ =	shalt  }
0x49: {  	_ =	shalt  }
0x4a: {  	_ =	shalt  }
0x4b: {  	_ =	shalt  }
0x4c: {  	_ =	shalt  }
0x4d: {  	_ =	shalt  }
0x4e: {  	_ =	shalt  }
0x4f: {  	_ =	shalt  }
0x50: {  	_ =	shalt  }
0x51: {  	_ =	shalt  }
0x52: {  	_ =	shalt  }
0x53: {  	_ =	shalt  }
0x54: {  	_ =	shalt  }
0x55: {  	_ =	shalt  }
0x56: {  	_ =	shalt  }
0x57: {  	_ =	shalt  }
0x58: {  	_ =	shalt  }
0x59: {  	_ =	shalt  }
0x5a: {  	_ =	shalt  }
0x5b: {  	_ =	shalt  }
0x5c: {  	_ =	shalt  }
0x5d: {  	_ =	shalt  }
0x5e: {  	_ =	shalt  }
0x5f: {  	_ =	shalt  }
0x60: {  	_ =	shalt  }
0x61: {  	_ =	shalt  }
0x62: {  	_ =	shalt  }
0x63: {  	_ =	shalt  }
0x64: {  	_ =	shalt  }
0x65: {  	_ =	shalt  }
0x66: {  	_ =	shalt  }
0x67: {  	_ =	shalt  }
0x68: {  	_ =	shalt  }
0x69: {  	_ =	shalt  }
0x6a: {  	_ =	shalt  }
0x6b: {  	_ =	shalt  }
0x6c: {  	_ =	shalt  }
0x6d: {  	_ =	shalt  }
0x6e: {  	_ =	shalt  }
0x6f: {  	_ =	shalt  }
0x70: {  	_ =	shalt  }
0x71: {  	_ =	shalt  }
0x72: {  	_ =	shalt  }
0x73: {  	_ =	shalt  }
0x74: {  	_ =	shalt  }
0x75: {  	_ =	shalt  }
0x76: {  	_ =	shalt  }
0x77: {  	_ =	shalt  }
0x78: {  	_ =	shalt  }
0x79: {  	_ =	shalt  }
0x7a: {  	_ =	shalt  }
0x7b: {  	_ =	shalt  }
0x7c: {  	_ =	shalt  }
0x7d: {  	_ =	shalt  }
0x7e: {  	_ =	shalt  }
0x7f: {  	_ =	shalt  }
0x80: {  	_ =	shalt  }
0x81: {  	_ =	shalt  }
0x82: {  	_ =	shalt  }
0x83: {  	_ =	shalt  }
0x84: {  	_ =	shalt  }
0x85: {  	_ =	shalt  }
0x86: {  	_ =	shalt  }
0x87: {  	_ =	shalt  }
.Lfunc_end0:
.L_simem_size_0:
called_computation_lowered:
.L_overlay_start_0:
0x88: {  	s2 =	sld [smem:$0x3FD9]  }
0x89: {  	s3 =	sld [smem:$0x3FFE];
	_ =	sdelay $0x1  }
0x8a: {  	s1 =	srdreg.scid  }
0x8b: {  	s0 =	sand.u32 $0x1, s1  }
0x8c: {  	s17 =	sshll.u32 s0, $0xA;
	s2 =	sadd.s32 s3, s2  }
0x8d: {  	s2 =	sadd.s32 s2, s17  }
0x8e: {  	[smem:$0x3FC2] =	sst s2  }
0x8f: {  	_ = 	snop  }
0x90: {  	s2 =	sld [smem:$0x3FD0];
	(tm) =	ssettm $0x1  }
0x91: {  	s18 =	sld [smem:$0x3FFB];
	_ =	sdelay $0x3  }
0x92: {  	_ =	strace s18  }
0x93: {  	s3 =	sld [smem:$0x3FFC];
	_ =	sdelay $0x3  }
0x94: {  	_ =	strace s3  }
0x95: {  	s3 =	sld [smem:$0x3FFD];
	_ =	sdelay $0x3  }
0x96: {  	_ =	strace s3  }
0x97: {  	_ =	strace $0x8FFFFFFF  }
0x98: {  	s19 =	sld [smem:$0x3FDB];
	_ =	sdelay $0x1  }
0x99: {  	s4 =	simm.s32 $_scs_section_size  }
0x9a: {  	s5 =	simm.s32 $_size__tile_overlayer_lowered;
	s6 =	simm.s32 $_tile_overlayer_lowered  }
0x9b: {  	s22 =	simm.s32 $0x1BFF;
	s21 =	sshll.u32 s6, $0x1;
	s3 =	sadd.s32 s4, s19  }
0x9c: {  	s7 =	simm.s32 $0x0;
	s20 =	sshll.u32 s5, $0x1;
	s5 =	sadd.s32 s21, s3  }
0x9d: {  	[timem:s7], [sflag:s22] =	dma.local [hbm:s5], s20  }
0x9e: {  	_ =	swait.ge [sflag:s22], s20  }
0x9f: {  	s4 =	ssub.s32 $0x0, s20;
	[sflag:s22] =	ssyncset.done $0x0  }
0xa0: {  	[sflag:s22] =	ssyncadd.s32 s4;
	_ =	sdelay $0x1  }
0xa1: {  	s23 =	simm.s32 $0x1B8B  }
0xa2: {  	_ =	swait.ge [sflag:s23], $0x1  }
0xa3: {  	[sflag:s23] =	ssyncset.done $0x0  }
0xa4: {  	s25 =	simm.s32 $0x1B8E;
	s24 =	sld [smem:$0x3FFE];
	[sflag:s23] =	ssyncadd.s32 $0xFFFFFFFF  }
0xa5: {  	s26 =	simm.s32 $execute0_lowered;
	[smem:$0x3FD2] =	sst s25  }
0xa6: {  	s5 =	sshll.u32 s26, $0x1;
	_ =	strace $0x80000046;
	[dreg:$0x1] =	wrdreg $0xFFFFFFFF  }
0xa7: {  	s28 =	simm.s32 $_size_execute0_lowered;
	s3 =	sadd.s32 s3, s5;
	[dreg:$0x0] =	wrdreg $0x0  }
0xa8: {  	s5 =	sshll.u32 s28, $0x1;
	[dreg:$0x2] =	wrdreg s3  }
0xa9: {  	[dreg:$0x3] =	wrdreg s5  }
0xaa: {  	[dreg:$0x4] =	wrdreg $0xC0  }
0xab: {  	_ =	task [dreg:s7], $0x5FFFF  }
0xac: {  	[dreg:$0x1] =	wrdreg $0xFFFFFFFF  }
0xad: {  	[dreg:$0x0] =	wrdreg $0x60  }
0xae: {  	[dreg:$0x2] =	wrdreg s2  }
0xaf: {  	[dreg:$0x3] =	wrdreg s24  }
0xb0: {  	[dreg:$0x4] =	wrdreg $0x68000  }
0xb1: {  	[dreg:$0x5] =	wrdreg $0x9  }
0xb2: {  	_ =	task.clear_ibuf [dreg:s7], $0x6FFFF;
	_ =	strace $0x90000046  }
0xb3: {  	s29 =	simm.s32 $0x9;
	_ =	strace $0x80000048  }
0xb4: {  	_ =	swait.ge [sflag:s29], $0x1  }
0xb5: {  	[sflag:s29] =	ssyncadd.s32 $0xFFFFFFFF  }
0xb6: {  	_ =	strace $0x90000048  }
0xb7: {  	_ =	sfence  }
0xb8: {  	s30 =	sld [smem:$0x0];
	_ =	sdelay $0x2  }
0xb9: {  	s31 =	sshll.u32 s1, $0xD;
	s1 =	sshrl.u32 s1, $0x2  }
0xba: {  	s3 =	sand.u32 $0x4000, s31;
	s1 =	sadd.s32 s1, s30  }
0xbb: {  	s0 =	sor.u32 s3, s0;
	s1 =	sshll.u32 s1, $0x11  }
0xbc: {  	s0 =	sor.u32 s1, s0  }
0xbd: {  	s0 =	sadd.s32 $0x8F2B, s0  }
0xbe: {  	[sflag:s0] =	ssyncadd.remote.s32 $0x1  }
0xbf: {  	_ =	sfence.sel $0xFFFF  }
0xc0: {  	[dreg:$0x0] =	wrdreg $0xFFFFFFFF;
	(pc) =	sbr.abs _section_cstart, $3  }
0xc1: {  	[dreg:$0x1] =	wrdreg $0xFFFFFFFF  }
0xc2: {  	_ =	task.clear_ibuf [dreg:s7], $0x2FFFF;
	_ =	strace $0x9FFFFFFF  }
0xc3: {  	(tm) =	ssettm $0x7FFFFFFF  }
tec
execute0_lowered:
.L_overlay_start_1:
0x0: {  	(tag) =	ssettag $0x1  }
0x1: {  	s4 =	rddreg [dreg:$0x0]  }
0x2: {  	s5 =	rddreg [dreg:$0x1]  }
0x3: {  	s2 =	rddreg [dreg:$0x2]  }
0x4: {  	s0 =	rddreg [dreg:$0x3]  }
0x5: {  	s3 =	simm.s32 $0x0;
	s6 =	srdreg.scid;
	s1 =	stileid.u32  }
0x6: {  	s12 =	simm.s32 $0x1;
	s13 =	simm.s32 $0x2800;
	s14 =	simm.s32 $0x80  }
0x7: {  	s17 =	simm.s32 $0x0;
	[smem:$0x7FF] =	sst s3;
	s7 =	smul.u32 $0x2800, s1  }
0x8: {  	s6 =	sand.u32 $0x1, s6;
	s9 =	sshll.u32 s1, $0x1;
	s29 =	smul.u32 $0x50000, s1  }
0x9: {  	s15 =	sshll.u32 s1, $0x6;
	_ =	strace $0x80000047;
	s8 =	smul.u32 $0x28000, s6  }
0xa: {  	s10 =	ssub.s32 $0x2, s6;
	s6 =	sor.u32 s6, s9;
	s15 =	sor.u32 $0x1C01, s15  }
0xb: {  	s30 =	sshrl.u32 s10, $0x1;
	s6 =	smul.u32 $0x500, s6;
	s7 =	sadd.s32 s7, s8  }
0xc: {  	s31 =	sshrl.u32 s29, $0x2;
	s8 =	ssub.s32 s10, s30;
	s7 =	sadd.s32 s7, s5  }
0xd: {  	s4 =	sadd.s32 s4, s6;
	s5 =	sadd.s32 s31, s2;
	s6 =	sadd.s32 $0x2A00, s7  }
0xe: {  	s7 =	smax.u32 s8, $0x1;
	s8 =	sadd.s32 $0x4000, s5;
	s9 =	sadd.s32 $0x8000, s5  }
0xf: {  	v0 =	vimm.f32 $0.0e+00;
	v1 =	vimm.f32 $1.000000000e+00;
	s10 =	sadd.s32 $0xC000, s5;
	s11 =	sadd.s32 $0x10000, s5;
	s16 =	sshrl.u32 s5, $0x3  }
.LBB2_1:
0x10: {  	[tilespmem:s3], [sflag:$0x1] =	stream.linear.gather [hbm4b:s4+s3], $0x2780, $0x38;
	[tilespmem:$0x1A800] =	vst v63  }
0x11: {  	_ =	swait.ge [sflag:s12], $0x2780  }
0x12: {  	[sflag:s12] =	ssyncset.done $0x0  }
0x13: {  	s18 =	simm.s32 $0x0;
	s19 =	simm.s32 $0x200;
	[sflag:s12] =	ssyncadd.s32 $0xFFFFD880  }
.LBB2_2:
0x14: {  	p0 =	sne.s32 s19, $0xFE00;
	[tilespmem:s18+$0x2870] =	vst v0  }
0x15: {  	[tilespmem:s18+$0x2800] =	vst v0  }
0x16: {  	[tilespmem:s18+$0x2810] =	vst v0  }
.Ltmp0:
0x17: {  	[tilespmem:s18+$0x2820] =	vst v0;
	(pc) =	sbr.rel @p0 .LBB2_2-.Ltmp0, $4  }
0x18: {  	[tilespmem:s18+$0x2830] =	vst v0  }
0x19: {  	[tilespmem:s18+$0x2840] =	vst v0  }
0x1a: {  	[tilespmem:s18+$0x2850] =	vst v0  }
0x1b: {  	[tilespmem:s18+$0x2860] =	vst v0;
	s18 =	sshra.s32 s19, $0x2;
	s19 =	sadd.s32 $0x200, s19  }
0x1c: {  	[tilespmem:s18+$0x2870] =	vst v0  }
0x1d: {  	[tilespmem:s18+$0x2800] =	vst v0  }
0x1e: {  	[tilespmem:s18+$0x2810] =	vst v0  }
0x1f: {  	[tilespmem:s18+$0x2820] =	vst v0  }
0x20: {  	[tilespmem:s18+$0x2830] =	vst v0  }
0x21: {  	[tilespmem:s18+$0x2840] =	vst v0  }
0x22: {  	[tilespmem:s18+$0x2850] =	vst v0  }
0x23: {  	[tilespmem:s18+$0x2860] =	vst v0  }
0x24: {  	[spmem:s5] =	stream.linear.scatter [tilespmem:s13], [sflag:$0x1], $0x4000, $0x38;
	[tilespmem:$0x1A800] =	vst v63  }
0x25: {  	_ =	swait.ge [sflag:s12], $0x4000  }
0x26: {  	[sflag:s12] =	ssyncset.done $0x0  }
0x27: {  	[sflag:s12] =	ssyncadd.s32 $0xFFFFC000  }
0x28: {  	[spmem:s8] =	stream.linear.scatter [tilespmem:s13], [sflag:$0x1], $0x4000, $0x38;
	[tilespmem:$0x1A800] =	vst v63  }
0x29: {  	_ =	swait.ge [sflag:s12], $0x4000  }
0x2a: {  	[sflag:s12] =	ssyncset.done $0x0  }
0x2b: {  	[sflag:s12] =	ssyncadd.s32 $0xFFFFC000  }
0x2c: {  	[spmem:s9] =	stream.linear.scatter [tilespmem:s13], [sflag:$0x1], $0x4000, $0x38;
	[tilespmem:$0x1A800] =	vst v63  }
0x2d: {  	_ =	swait.ge [sflag:s12], $0x4000  }
0x2e: {  	[sflag:s12] =	ssyncset.done $0x0  }
0x2f: {  	[sflag:s12] =	ssyncadd.s32 $0xFFFFC000  }
0x30: {  	[spmem:s10] =	stream.linear.scatter [tilespmem:s13], [sflag:$0x1], $0x4000, $0x38;
	[tilespmem:$0x1A800] =	vst v63  }
0x31: {  	_ =	swait.ge [sflag:s12], $0x4000  }
0x32: {  	[sflag:s12] =	ssyncset.done $0x0  }
0x33: {  	[sflag:s12] =	ssyncadd.s32 $0xFFFFC000  }
0x34: {  	[spmem:s11] =	stream.linear.scatter [tilespmem:s13], [sflag:$0x1], $0x4000, $0x38;
	[tilespmem:$0x1A800] =	vst v63  }
0x35: {  	_ =	swait.ge [sflag:s12], $0x4000  }
0x36: {  	[sflag:s12] =	ssyncset.done $0x0  }
0x37: {  	[sflag:s12] =	ssyncadd.s32 $0xFFFFC000  }
0x38: {  	s18 =	simm.s32 $0x200;
	s19 =	simm.s32 $0x0;
	[bflag:$0x0] =	sbarrier.arrive $0xFFFF  }
.LBB2_4:
0x39: {  	p0 =	sne.s32 s18, $0xFE00;
	[tilespmem:s19+$0x2800] =	vst v1;
	s19 =	smov.u32 s18;
	s18 =	sadd.s32 $0x200, s18  }
.Ltmp1:
0x3a: {  	(pc) =	sbr.rel @p0 .LBB2_4-.Ltmp1, $2  }
0x3b: {  	_ =	sdelay $0x2  }
0x3c: {  	s19 =	sshra.s32 s19, $0x2  }
0x3d: {  	[tilespmem:s19+$0x2800] =	vst v1;
	s18 =	simm.s32 $0x0  }
0x3e: {  	[spmem:s2] =	stream.indirect.scatter.add.f32 [tilespmem:s13], [sflag:$0x1], $0x80, s18, s14, $0xb8;
	[tilespmem:$0x1A800] =	vst v63  }
0x3f: {  	_ =	swait.ge [sflag:s12], $0x4000  }
0x40: {  	s18 =	simm.s32 $0x200;
	[sflag:s12] =	ssyncset.done $0x0  }
.LBB2_6:
0x41: {  	s19 =	sshra.s32 s18, $0x2;
	[sflag:s12] =	ssyncadd.s32 $0xFFFFC000;
	p0 =	sne.s32 s18, $0x9C00  }
0x42: {  	[spmem:s2] =	stream.indirect.scatter.add.f32 [tilespmem:s13], [sflag:$0x1], $0x80, s19, s14, $0xb8;
	[tilespmem:$0x1A800] =	vst v63  }
.Ltmp2:
0x43: {  	_ = 	snop;
	(pc) =	sbr.rel @p0 .LBB2_6-.Ltmp2, $4  }
0x44: {  	_ = 	snop  }
0x45: {  	s18 =	sadd.s32 $0x200, s18  }
0x46: {  	_ =	swait.ge [sflag:s12], $0x4000  }
0x47: {  	[sflag:s12] =	ssyncset.done $0x0  }
0x48: {  	s17 =	sadd.s32 $0x1, s17  }
0x49: {  	[sflag:s12] =	ssyncadd.s32 $0xFFFFC000;
	p0 =	sne.s32 s17, s7  }
.Ltmp3:
0x4a: {  	[bflag:$0x0] =	sbarrier.arrive $0xFFFF;
	(pc) =	sbr.rel @p0 .LBB2_1-.Ltmp3, $4  }
0x4b: {  	[hbm:s6], [sflag:s15] =	dma.local [spmem:s16], $0x2800  }
0x4c: {  	_ =	swait.ge [sflag:s12], $0x2800  }
0x4d: {  	[sflag:s12] =	ssyncset.done $0x0  }
0x4e: {  	[sflag:s12] =	ssyncadd.s32 $0xFFFFD800  }
0x4f: {  	_ =	sfence.sel $0x180000  }
0x50: {  	[bflag:$0x0] =	sbarrier.arrive $0xFFFF  }
0x51: {  	p0 =	sne.s32 s1, $0x0;
	_ =	strace $0x90000047  }
0x52: {  	s0 =	sadd.s32 @!p0 $0x100000, s0;
	[bflag:$0x2] =	sbarrier.arrive $0xFFFF  }
0x53: {  	[sflag:s0] =	ssyncadd.tile.s32 @!p0 $0x1;
	_ =	shalt  }
.Lfunc_end2:
_tile_overlayer_lowered:
.L_overlay_start_2:
0x54: {  	(tag) =	ssettag $0x2  }
0x55: {  	s0 =	rddreg [dreg:$0x0];
	s2 =	stileid.u32  }
0x56: {  	s1 =	rddreg [dreg:$0x1];
	p0 =	sne.s32 s2, $0x0  }
0x57: {  	s3 =	rddreg [dreg:$0x2];
	[bflag:$0x3] =	sbarrier.arrive $0xFFFF;
	s2 =	simm.s32 @!p0 $0x1C01  }
0x58: {  	[timem:s3], [sflag:s2] =	dma.local @!p0 [hbm:s0], s1  }
0x59: {  	s0 =	simm.s32 @!p0 $0x1  }
0x5a: {  	_ =	swait.ge @!p0 [sflag:s0], s1  }
0x5b: {  	s1 =	ssub.s32 @!p0 $0x0, s1;
	[sflag:s0] =	ssyncset.done @!p0 $0x0  }
0x5c: {  	[sflag:s0] =	ssyncadd.s32 @!p0 s1  }
0x5d: {  	[bflag:$0x3] =	sbarrier.arrive $0xFFFF  }
0x5e: {  	_ =	shalt  }

</sc_bundles>
